<compile_context>
chip_gen: v7x
topology: tpu7x:2x2x1
jax: 0.10.2.dev20260603
libtpu: 0.0.44.dev20260713+nightly
codegen_flags: <defaults>
</compile_context>

<pallas_src>
import jax
import jax.numpy as jnp
from jax.experimental import pallas as pl
from jax.experimental.pallas import tpu as pltpu
from jax.experimental.pallas import tpu_sc as plsc

N = 10000
DEG = 32
D_MSG = 128
D_FEAT = 128
D_HID = 128
H = 256
OUT = 128

BN = 400
NS = 2400
SBN = 8


def _sc_sum_body(in_vmem, out_vmem):
    @pl.loop(0, SBN)
    def _node(r):
        base = r * (DEG * D_MSG)

        @pl.loop(0, D_MSG, step=16)
        def _lane(c):
            acc = in_vmem[pl.ds(base + c, 16)]
            for d in range(1, DEG):
                acc = acc + in_vmem[pl.ds(base + d * D_MSG + c, 16)]
            out_vmem[pl.ds(r * D_MSG + c, 16)] = acc


def _sc_msum(mb_flat):
    @pl.kernel(
        out_type=jax.ShapeDtypeStruct((NS * D_MSG,), jnp.float32),
        mesh=plsc.VectorSubcoreMesh(core_axis_name="c", subcore_axis_name="s"),
    )
    def k(mb_hbm, out_hbm):
        pltpu.emit_pipeline(
            _sc_sum_body,
            grid=(NS // SBN,),
            in_specs=[pl.BlockSpec((SBN * DEG * D_MSG,), lambda i: (i,))],
            out_specs=[pl.BlockSpec((SBN * D_MSG,), lambda i: (i,))],
            core_axis_name=("c", "s"),
            dimension_semantics=(pltpu.PARALLEL,),
        )(mb_hbm, out_hbm)

    return k(mb_flat)


def _mlp(msum, nf_ref, nh_ref, w1m_ref, w1f_ref, w1h_ref, b1_ref,
         w2_ref, b2_ref, w3_ref, b3_ref, o_ref):
    h = (jnp.dot(msum, w1m_ref[...], preferred_element_type=jnp.float32)
         + jnp.dot(nf_ref[...], w1f_ref[...], preferred_element_type=jnp.float32)
         + jnp.dot(nh_ref[...], w1h_ref[...], preferred_element_type=jnp.float32)
         + b1_ref[...])
    h = jnp.maximum(h, 0.0)
    h = jnp.dot(h, w2_ref[...], preferred_element_type=jnp.float32) + b2_ref[...]
    h = jnp.maximum(h, 0.0)
    o_ref[...] = jnp.dot(h, w3_ref[...], preferred_element_type=jnp.float32) + b3_ref[...]


def _fused_body(mb_ref, nf_ref, nh_ref, *rest):
    msum = jnp.sum(mb_ref[...], axis=1)
    _mlp(msum, nf_ref, nh_ref, *rest)


def _msum_body(ms_ref, nf_ref, nh_ref, *rest):
    _mlp(ms_ref[...], nf_ref, nh_ref, *rest)


@jax.jit
def kernel(mailbox, node_features, node_hidden_rep, W1, b1, W2, b2, W3, b3):
    w1m = W1[:D_MSG]
    w1f = W1[D_MSG:D_MSG + D_FEAT]
    w1h = W1[D_MSG + D_FEAT:]
    b1r = b1.reshape(1, H)
    b2r = b2.reshape(1, H)
    b3r = b3.reshape(1, OUT)
    weight_args = (w1m, w1f, w1h, b1r, W2, b2r, W3, b3r)
    weight_specs = [pl.BlockSpec(w.shape, lambda i: (0, 0)) for w in weight_args]

    msum_sc = _sc_msum(mailbox.reshape(-1)).reshape(NS, D_MSG)

    off = NS // BN
    out_hi = pl.pallas_call(
        _fused_body,
        grid=((N - NS) // BN,),
        in_specs=[
            pl.BlockSpec((BN, DEG, D_MSG), lambda i: (i + off, 0, 0)),
            pl.BlockSpec((BN, D_FEAT), lambda i: (i + off, 0)),
            pl.BlockSpec((BN, D_HID), lambda i: (i + off, 0)),
            *weight_specs,
        ],
        out_specs=pl.BlockSpec((BN, OUT), lambda i: (i, 0)),
        out_shape=jax.ShapeDtypeStruct((N - NS, OUT), jnp.float32),
        compiler_params=pltpu.CompilerParams(
            dimension_semantics=("parallel",),
        ),
    )(mailbox, node_features, node_hidden_rep, *weight_args)

    out_lo = pl.pallas_call(
        _msum_body,
        grid=(NS // BN,),
        in_specs=[
            pl.BlockSpec((BN, D_MSG), lambda i: (i, 0)),
            pl.BlockSpec((BN, D_FEAT), lambda i: (i, 0)),
            pl.BlockSpec((BN, D_HID), lambda i: (i, 0)),
            *weight_specs,
        ],
        out_specs=pl.BlockSpec((BN, OUT), lambda i: (i, 0)),
        out_shape=jax.ShapeDtypeStruct((NS, OUT), jnp.float32),
        compiler_params=pltpu.CompilerParams(
            dimension_semantics=("parallel",),
        ),
    )(msum_sc, node_features, node_hidden_rep, *weight_args)

    return jnp.concatenate([out_lo, out_hi], axis=0)

# --- scband reference (transcript-rebuilt; emitter-appended) ---
"""Pipeline reference for scband-node-network-69415261438420 (READ-ONLY COPY).

The authoritative reference and input builder live on the scoring server;
editing this copy changes nothing except your own understanding.
"""

import jax, jax.numpy as jnp
import numpy as np

N = 10000
DEG = 32
D_MSG = 128
D_FEAT = 128
D_HID = 128
IN = D_MSG + D_FEAT + D_HID  # 384
H = 256
OUT = 128

def setup_inputs(seed: int = 0) -> dict:
    key = jax.random.key(seed)
    ks = jax.random.split(key, 10)
    mailbox = jax.random.normal(ks[0], (N, DEG, D_MSG), dtype=jnp.float32)
    node_features = jax.random.normal(ks[1], (N, D_FEAT), dtype=jnp.float32)
    node_hidden_rep = jax.random.normal(ks[2], (N, D_HID), dtype=jnp.float32)
    W1 = jax.random.normal(ks[3], (IN, H), dtype=jnp.float32) * (1.0 / np.sqrt(IN))
    b1 = jnp.zeros((H,), dtype=jnp.float32)
    W2 = jax.random.normal(ks[4], (H, H), dtype=jnp.float32) * (1.0 / np.sqrt(H))
    b2 = jnp.zeros((H,), dtype=jnp.float32)
    W3 = jax.random.normal(ks[5], (H, OUT), dtype=jnp.float32) * (1.0 / np.sqrt(H))
    b3 = jnp.zeros((OUT,), dtype=jnp.float32)
    return {"mailbox": mailbox, "node_features": node_features, "node_hidden_rep": node_hidden_rep,
            "W1": W1, "b1": b1, "W2": W2, "b2": b2, "W3": W3, "b3": b3}

def reference(mailbox, node_features, node_hidden_rep, W1, b1, W2, b2, W3, b3):
    # sum of incoming edge hidden representations (DGL mailbox reduce over dim=1)
    message_sum = jnp.sum(mailbox, axis=1)
    input_data = jnp.concatenate([message_sum, node_features, node_hidden_rep], axis=1)
    h = jax.nn.relu(input_data @ W1 + b1)
    h = jax.nn.relu(h @ W2 + b2)
    out = h @ W3 + b3
    return out

if __name__ == "__main__":
    import jax
    _d = setup_inputs()
    print(jax.jit(kernel)(*tuple(_d.values())))

</pallas_src>

<mosaic_0001>
#map = affine_map<(d0, d1) -> (0)>
module attributes {stable_mosaic.version = 14 : i64} {
  func.func @k(%arg0: i32, %arg1: i32, %arg2: memref<40960000xf32, #tpu.memory_space<hbm>>, %arg3: memref<307200xf32, #tpu.memory_space<hbm>>) attributes {dimension_semantics = [#tpu.dimension_semantics<core_parallel>, #tpu.dimension_semantics<subcore_parallel>], iteration_bounds = array<i64: 2, 16>, scalar_prefetch = 0 : i64, scratch_operands = 0 : i64, tpu.core_type = #tpu.core_type<sc_vector_subcore>, window_params = [{transform_indices = #map}, {transform_indices = #map}]} {
    %mul3A = arith.constant 1 : i32
    %mul3A_0 = arith.muli %arg1, %mul3A : i32
    %add3A = arith.constant 0 : i32
    %add3A_1 = arith.addi %add3A, %mul3A_0 : i32
    %mul3A_2 = arith.constant 16 : i32
    %mul3A_3 = arith.muli %arg0, %mul3A_2 : i32
    %add3A_4 = arith.addi %add3A_1, %mul3A_3 : i32
    %lt3A = arith.constant 12 : i32
    %lt3A_5 = arith.cmpi slt, %add3A_4, %lt3A : i32
    %jit3A = arith.constant 10 : i32
    %jit3A_6 = arith.constant 9 : i32
    %select_n3A = arith.select %lt3A_5, %jit3A, %jit3A_6 : i32
    %lt3A_7 = arith.constant 12 : i32
    %lt3A_8 = arith.cmpi slt, %add3A_4, %lt3A_7 : i32
    %mul3A_9 = arith.muli %add3A_4, %select_n3A : i32
    %mul3A_10 = arith.constant 9 : i32
    %mul3A_11 = arith.muli %add3A_4, %mul3A_10 : i32
    %add3A_12 = arith.constant 12 : i32
    %add3A_13 = arith.addi %mul3A_11, %add3A_12 : i32
    %select_n3A_14 = arith.select %lt3A_8, %mul3A_9, %add3A_13 : i32
    %mul3A_15 = arith.constant 1 : i32
    %mul3A_16 = arith.muli %mul3A_15, %select_n3A : i32
    "tpu.region"() ({
      %run_scoped3A = memref.alloca() : memref<65536xf32, #tpu.memory_space<vmem>>
      %run_scoped3A_17 = tpu.sem_alloc : memref<2x!tpu.dma_semaphore, #tpu.memory_space<semaphore_mem>>
      %run_scoped3A_18 = memref.alloca() : memref<2048xf32, #tpu.memory_space<vmem>>
      %run_scoped3A_19 = tpu.sem_alloc : memref<2x!tpu.dma_semaphore, #tpu.memory_space<semaphore_mem>>
      %gt3A = arith.constant 0 : i32
      %gt3A_20 = arith.cmpi sgt, %mul3A_16, %gt3A : i32
      %convert_element_type3A = arith.extui %gt3A_20 : i1 to i32
      %cond3A = arith.constant 0 : i32
      %cond3A_21 = arith.cmpi ne, %convert_element_type3A, %cond3A : i32
      scf.if %cond3A_21 {
        %mul3A_22 = arith.constant 1 : i32
        %mul3A_23 = arith.muli %mul3A_22, %select_n3A : i32
        %sub3A = arith.constant 1 : i32
        %sub3A_24 = arith.subi %mul3A_23, %sub3A : i32
        %eq3A = arith.constant 0 : i32
        %eq3A_25 = arith.cmpi eq, %sub3A_24, %eq3A : i32
        %add3A_26 = arith.constant 0 : i32
        %add3A_27 = arith.addi %add3A_26, %select_n3A_14 : i32
        %select_n3A_28 = arith.constant true
        %select_n3A_29 = arith.constant 0 : i32
        %select_n3A_30 = arith.constant -1 : i32
        %select_n3A_31 = arith.select %select_n3A_28, %select_n3A_30, %select_n3A_29 : i32
        %eq3A_32 = arith.constant -1 : i32
        %eq3A_33 = arith.cmpi eq, %select_n3A_31, %eq3A_32 : i32
        %sub3A_34 = arith.constant 1 : i32
        %sub3A_35 = arith.subi %select_n3A, %sub3A_34 : i32
        %select_n3A_36 = arith.select %eq3A_33, %sub3A_35, %select_n3A_31 : i32
        %add3A_37 = arith.addi %select_n3A_36, %select_n3A_14 : i32
        %select_n3A_38 = arith.constant true
        %select_n3A_39 = arith.constant 0 : i32
        %select_n3A_40 = arith.constant 1 : i32
        %select_n3A_41 = arith.select %select_n3A_38, %select_n3A_40, %select_n3A_39 : i32
        %eq3A_42 = arith.cmpi eq, %select_n3A_41, %select_n3A : i32
        %select_n3A_43 = arith.constant 0 : i32
        %select_n3A_44 = arith.select %eq3A_42, %select_n3A_43, %select_n3A_41 : i32
        %add3A_45 = arith.addi %select_n3A_44, %select_n3A_14 : i32
        %add3A_46 = arith.constant 1 : i32
        %add3A_47 = arith.addi %select_n3A_44, %add3A_46 : i32
        %select_n3A_48 = arith.constant true
        %select_n3A_49 = arith.select %select_n3A_48, %add3A_47, %select_n3A_44 : i32
        %eq3A_50 = arith.cmpi eq, %select_n3A_49, %select_n3A : i32
        %select_n3A_51 = arith.constant 0 : i32
        %select_n3A_52 = arith.select %eq3A_50, %select_n3A_51, %select_n3A_49 : i32
        %add3A_53 = arith.addi %select_n3A_52, %select_n3A_14 : i32
        "tpu.trace_start"() <{level = 10 : i32, message = "ep_initialize_0"}> : () -> ()
        %rem3A = arith.constant 0 : i32
        %rem3A_54 = arith.constant 2 : i32
        %rem3A_55 = arith.remui %rem3A, %rem3A_54 : i32
        %mul3A_56 = arith.constant 32768 : i32
        %mul3A_57 = arith.muli %mul3A_56, %add3A_27 : i32
        %mul3A_58 = arith.constant 32768 : i32
        %mul3A_59 = arith.muli %rem3A_55, %mul3A_58 : i32
        %add3A_60 = arith.constant 0 : i32
        %add3A_61 = arith.addi %mul3A_59, %add3A_60 : i32
        %dma_start3A = tpu.memref_slice %run_scoped3A[%add3A_61] : memref<65536xf32, #tpu.memory_space<vmem>> -> memref<32768xf32, #tpu.memory_space<vmem>>
        %dma_start3A_62 = tpu.memref_slice %arg2[%mul3A_57] : memref<40960000xf32, #tpu.memory_space<hbm>> -> memref<32768xf32, #tpu.memory_space<hbm>>
        %dma_start3A_63 = tpu.memref_slice %run_scoped3A_17[%rem3A_55] : memref<2x!tpu.dma_semaphore, #tpu.memory_space<semaphore_mem>> -> memref<1x!tpu.dma_semaphore, #tpu.memory_space<semaphore_mem>>
        %dma_start3A_64 = tpu.memref_squeeze %dma_start3A_63 : memref<1x!tpu.dma_semaphore, #tpu.memory_space<semaphore_mem>> -> memref<!tpu.dma_semaphore, #tpu.memory_space<semaphore_mem>>
        %dma_start3A_65 = tpu.memref_slice %run_scoped3A[%add3A_61] : memref<65536xf32, #tpu.memory_space<vmem>> -> memref<32768xf32, #tpu.memory_space<vmem>>
        %dma_start3A_66 = tpu.memref_slice %arg2[%mul3A_57] : memref<40960000xf32, #tpu.memory_space<hbm>> -> memref<32768xf32, #tpu.memory_space<hbm>>
        tpu.enqueue_dma source(%dma_start3A_66 : memref<32768xf32, #tpu.memory_space<hbm>>) target(%dma_start3A_65 : memref<32768xf32, #tpu.memory_space<vmem>>) target_semaphore(%dma_start3A_64 : memref<!tpu.dma_semaphore, #tpu.memory_space<semaphore_mem>>)
        %add3A_67 = arith.constant 0 : i32
        %add3A_68 = arith.constant 1 : i32
        %add3A_69 = arith.addi %add3A_67, %add3A_68 : i32
        %select_n3A_70 = arith.constant true
        %select_n3A_71 = arith.constant 0 : i32
        %select_n3A_72 = arith.select %select_n3A_70, %add3A_69, %select_n3A_71 : i32
        %while3A = arith.constant 0 : i32
        %while3A_73 = arith.constant 0 : i32
        %while3A_74 = arith.constant 0 : i32
        %while3A_75 = arith.constant 0 : i32
        %while3A_76 = arith.constant 0 : i32
        "tpu.trace_stop"() : () -> ()
        %while3A_77 = arith.subi %mul3A_16, %while3A : i32
        %while3A_78 = arith.addi %while3A, %while3A_77 : i32
        %while3A_79 = arith.constant 1 : i32
        %while3A_80 = arith.divsi %while3A_77, %while3A_79 : i32
        %while3A_81 = arith.muli %while3A_80, %while3A_79 : i32
        %while3A_82 = arith.addi %while3A, %while3A_81 : i32
        %while3A_83 = arith.constant 1 : i32
        %while3A_84:5 = scf.for %while3A_138 = %while3A to %while3A_82 step %while3A_83 iter_args(%while3A_139 = %select_n3A_72, %while3A_140 = %while3A_73, %while3A_141 = %while3A_74, %while3A_142 = %while3A_75, %while3A_143 = %while3A_76) -> (i32, i32, i32, i32, i32)  : i32 {
          %mul3A_144 = arith.constant 1 : i32
          %mul3A_145 = arith.muli %mul3A_144, %select_n3A : i32
          %eq3A_146 = arith.constant 0 : i32
          %eq3A_147 = arith.cmpi eq, %while3A_138, %eq3A_146 : i32
          %sub3A_148 = arith.constant 1 : i32
          %sub3A_149 = arith.subi %mul3A_145, %sub3A_148 : i32
          %eq3A_150 = arith.cmpi eq, %while3A_138, %sub3A_149 : i32
          %add3A_151 = arith.addi %while3A_143, %select_n3A_14 : i32
          %sub3A_152 = arith.constant 1 : i32
          %sub3A_153 = arith.subi %while3A_143, %sub3A_152 : i32
          %select_n3A_154 = arith.constant true
          %select_n3A_155 = arith.select %select_n3A_154, %sub3A_153, %while3A_143 : i32
          %eq3A_156 = arith.constant -1 : i32
          %eq3A_157 = arith.cmpi eq, %select_n3A_155, %eq3A_156 : i32
          %sub3A_158 = arith.constant 1 : i32
          %sub3A_159 = arith.subi %select_n3A, %sub3A_158 : i32
          %select_n3A_160 = arith.select %eq3A_157, %sub3A_159, %select_n3A_155 : i32
          %add3A_161 = arith.addi %select_n3A_160, %select_n3A_14 : i32
          %add3A_162 = arith.constant 1 : i32
          %add3A_163 = arith.addi %while3A_143, %add3A_162 : i32
          %select_n3A_164 = arith.constant true
          %select_n3A_165 = arith.select %select_n3A_164, %add3A_163, %while3A_143 : i32
          %eq3A_166 = arith.cmpi eq, %select_n3A_165, %select_n3A : i32
          %select_n3A_167 = arith.constant 0 : i32
          %select_n3A_168 = arith.select %eq3A_166, %select_n3A_167, %select_n3A_165 : i32
          %add3A_169 = arith.addi %select_n3A_168, %select_n3A_14 : i32
          %add3A_170 = arith.constant 1 : i32
          %add3A_171 = arith.addi %select_n3A_168, %add3A_170 : i32
          %select_n3A_172 = arith.constant true
          %select_n3A_173 = arith.select %select_n3A_172, %add3A_171, %select_n3A_168 : i32
          %eq3A_174 = arith.cmpi eq, %select_n3A_173, %select_n3A : i32
          %select_n3A_175 = arith.constant 0 : i32
          %select_n3A_176 = arith.select %eq3A_174, %select_n3A_175, %select_n3A_173 : i32
          %add3A_177 = arith.addi %select_n3A_176, %select_n3A_14 : i32
          %ne3A = arith.cmpi ne, %add3A_151, %add3A_169 : i32
          %or3A = arith.constant false
          %or3A_178 = arith.ori %or3A, %ne3A : i1
          %sub3A_179 = arith.constant 2 : i32
          %sub3A_180 = arith.subi %mul3A_145, %sub3A_179 : i32
          %add3A_181 = arith.constant 1 : i32
          %add3A_182 = arith.addi %sub3A_180, %add3A_181 : i32
          %ge3A = arith.cmpi sge, %while3A_138, %add3A_182 : i32
          %not3A = arith.constant true
          %not3A_183 = arith.xori %ge3A, %not3A : i1
          %and3A = arith.andi %or3A_178, %not3A_183 : i1
          %convert_element_type3A_184 = arith.extui %and3A : i1 to i32
          %cond3A_185 = arith.constant 0 : i32
          %cond3A_186 = arith.cmpi ne, %convert_element_type3A_184, %cond3A_185 : i32
          scf.if %cond3A_186 {
            "tpu.trace_start"() <{level = 10 : i32, message = "ep_copy_in"}> : () -> ()
            %rem3A_289 = arith.constant 2 : i32
            %rem3A_290 = arith.remui %while3A_139, %rem3A_289 : i32
            %mul3A_291 = arith.constant 32768 : i32
            %mul3A_292 = arith.muli %mul3A_291, %add3A_169 : i32
            %mul3A_293 = arith.constant 32768 : i32
            %mul3A_294 = arith.muli %rem3A_290, %mul3A_293 : i32
            %add3A_295 = arith.constant 0 : i32
            %add3A_296 = arith.addi %mul3A_294, %add3A_295 : i32
            %dma_start3A_297 = tpu.memref_slice %run_scoped3A[%add3A_296] : memref<65536xf32, #tpu.memory_space<vmem>> -> memref<32768xf32, #tpu.memory_space<vmem>>
            %dma_start3A_298 = tpu.memref_slice %arg2[%mul3A_292] : memref<40960000xf32, #tpu.memory_space<hbm>> -> memref<32768xf32, #tpu.memory_space<hbm>>
            %dma_start3A_299 = tpu.memref_slice %run_scoped3A_17[%rem3A_290] : memref<2x!tpu.dma_semaphore, #tpu.memory_space<semaphore_mem>> -> memref<1x!tpu.dma_semaphore, #tpu.memory_space<semaphore_mem>>
            %dma_start3A_300 = tpu.memref_squeeze %dma_start3A_299 : memref<1x!tpu.dma_semaphore, #tpu.memory_space<semaphore_mem>> -> memref<!tpu.dma_semaphore, #tpu.memory_space<semaphore_mem>>
            %dma_start3A_301 = tpu.memref_slice %run_scoped3A[%add3A_296] : memref<65536xf32, #tpu.memory_space<vmem>> -> memref<32768xf32, #tpu.memory_space<vmem>>
            %dma_start3A_302 = tpu.memref_slice %arg2[%mul3A_292] : memref<40960000xf32, #tpu.memory_space<hbm>> -> memref<32768xf32, #tpu.memory_space<hbm>>
            tpu.enqueue_dma source(%dma_start3A_302 : memref<32768xf32, #tpu.memory_space<hbm>>) target(%dma_start3A_301 : memref<32768xf32, #tpu.memory_space<vmem>>) target_semaphore(%dma_start3A_300 : memref<!tpu.dma_semaphore, #tpu.memory_space<semaphore_mem>>)
            "tpu.trace_stop"() : () -> ()
          } else {
          }
          %and3A_187 = arith.constant true
          %and3A_188 = arith.andi %and3A, %and3A_187 : i1
          %add3A_189 = arith.constant 1 : i32
          %add3A_190 = arith.addi %while3A_139, %add3A_189 : i32
          %select_n3A_191 = arith.select %and3A_188, %add3A_190, %while3A_139 : i32
          %ne3A_192 = arith.cmpi ne, %add3A_151, %add3A_169 : i32
          %or3A_193 = arith.constant false
          %or3A_194 = arith.ori %or3A_193, %ne3A_192 : i1
          %sub3A_195 = arith.constant 2 : i32
          %sub3A_196 = arith.subi %mul3A_145, %sub3A_195 : i32
          %add3A_197 = arith.constant 1 : i32
          %add3A_198 = arith.addi %sub3A_196, %add3A_197 : i32
          %ge3A_199 = arith.cmpi sge, %while3A_138, %add3A_198 : i32
          %not3A_200 = arith.constant true
          %not3A_201 = arith.xori %ge3A_199, %not3A_200 : i1
          %and3A_202 = arith.andi %or3A_194, %not3A_201 : i1
          %ne3A_203 = arith.cmpi ne, %add3A_151, %add3A_161 : i32
          %or3A_204 = arith.constant false
          %or3A_205 = arith.ori %or3A_204, %ne3A_203 : i1
          %or3A_206 = arith.ori %or3A_205, %eq3A_147 : i1
          %convert_element_type3A_207 = arith.extui %or3A_206 : i1 to i32
          %cond3A_208 = arith.constant 0 : i32
          %cond3A_209 = arith.cmpi ne, %convert_element_type3A_207, %cond3A_208 : i32
          scf.if %cond3A_209 {
            "tpu.trace_start"() <{level = 10 : i32, message = "ep_wait_in"}> : () -> ()
            %mul3A_289 = arith.constant 32768 : i32
            %mul3A_290 = arith.muli %mul3A_289, %add3A_151 : i32
            %rem3A_291 = arith.constant 2 : i32
            %rem3A_292 = arith.remui %while3A_140, %rem3A_291 : i32
            %mul3A_293 = arith.constant 32768 : i32
            %mul3A_294 = arith.muli %rem3A_292, %mul3A_293 : i32
            %add3A_295 = arith.constant 0 : i32
            %add3A_296 = arith.addi %mul3A_294, %add3A_295 : i32
            %dma_wait3A = tpu.memref_slice %run_scoped3A[%add3A_296] : memref<65536xf32, #tpu.memory_space<vmem>> -> memref<32768xf32, #tpu.memory_space<vmem>>
            %dma_wait3A_297 = tpu.memref_slice %arg2[%mul3A_290] : memref<40960000xf32, #tpu.memory_space<hbm>> -> memref<32768xf32, #tpu.memory_space<hbm>>
            %dma_wait3A_298 = tpu.memref_slice %run_scoped3A_17[%rem3A_292] : memref<2x!tpu.dma_semaphore, #tpu.memory_space<semaphore_mem>> -> memref<1x!tpu.dma_semaphore, #tpu.memory_space<semaphore_mem>>
            %dma_wait3A_299 = tpu.memref_squeeze %dma_wait3A_298 : memref<1x!tpu.dma_semaphore, #tpu.memory_space<semaphore_mem>> -> memref<!tpu.dma_semaphore, #tpu.memory_space<semaphore_mem>>
            %dma_wait3A_300 = tpu.memref_slice %run_scoped3A[%add3A_296] : memref<65536xf32, #tpu.memory_space<vmem>> -> memref<32768xf32, #tpu.memory_space<vmem>>
            %dma_wait3A_301 = tpu.memref_slice %arg2[%mul3A_290] : memref<40960000xf32, #tpu.memory_space<hbm>> -> memref<32768xf32, #tpu.memory_space<hbm>>
            tpu.wait_dma2 semaphore(%dma_wait3A_299 : memref<!tpu.dma_semaphore, #tpu.memory_space<semaphore_mem>>) src(%dma_wait3A_301 : memref<32768xf32, #tpu.memory_space<hbm>>) dst(%dma_wait3A_300 : memref<32768xf32, #tpu.memory_space<vmem>>)
            "tpu.trace_stop"() : () -> ()
          } else {
          }
          %ne3A_210 = arith.cmpi ne, %add3A_151, %add3A_161 : i32
          %or3A_211 = arith.constant false
          %or3A_212 = arith.ori %or3A_211, %ne3A_210 : i1
          %or3A_213 = arith.ori %or3A_212, %eq3A_147 : i1
          %convert_element_type3A_214 = arith.extui %or3A_213 : i1 to i32
          %cond3A_215 = arith.constant 0 : i32
          %cond3A_216 = arith.cmpi ne, %convert_element_type3A_214, %cond3A_215 : i32
          scf.if %cond3A_216 {
          } else {
          }
          %rem3A_217 = arith.constant 2 : i32
          %rem3A_218 = arith.remui %while3A_140, %rem3A_217 : i32
          %mul3A_219 = arith.constant 32768 : i32
          %mul3A_220 = arith.muli %rem3A_218, %mul3A_219 : i32
          %rem3A_221 = arith.constant 2 : i32
          %rem3A_222 = arith.remui %while3A_141, %rem3A_221 : i32
          %mul3A_223 = arith.constant 1024 : i32
          %mul3A_224 = arith.muli %rem3A_222, %mul3A_223 : i32
          "tpu.trace_start"() <{level = 10 : i32, message = "ep_run_kernel"}> : () -> ()
          %scan3A = arith.constant 0 : i32
          %scan3A_225 = arith.constant 8 : i32
          %scan3A_226 = arith.addi %scan3A, %scan3A_225 : i32
          %scan3A_227 = arith.constant 1 : i32
          scf.for %scan3A_289 = %scan3A to %scan3A_226 step %scan3A_227  : i32 {
            %mul3A_290 = arith.constant 1 : i32
            %mul3A_291 = arith.muli %scan3A_289, %mul3A_290 : i32
            %add3A_292 = arith.constant 0 : i32
            %add3A_293 = arith.addi %add3A_292, %mul3A_291 : i32
            %mul3A_294 = arith.constant 4096 : i32
            %mul3A_295 = arith.muli %add3A_293, %mul3A_294 : i32
            %scan3A_296 = arith.constant 0 : i32
            %scan3A_297 = arith.constant 8 : i32
            %scan3A_298 = arith.addi %scan3A_296, %scan3A_297 : i32
            %scan3A_299 = arith.constant 1 : i32
            scf.for %scan3A_301 = %scan3A_296 to %scan3A_298 step %scan3A_299  : i32 {
              %mul3A_302 = arith.constant 16 : i32
              %mul3A_303 = arith.muli %scan3A_301, %mul3A_302 : i32
              %add3A_304 = arith.constant 0 : i32
              %add3A_305 = arith.addi %add3A_304, %mul3A_303 : i32
              %add3A_306 = arith.addi %mul3A_295, %add3A_305 : i32
              %get3A = tpu.memref_slice %run_scoped3A[%mul3A_220] : memref<65536xf32, #tpu.memory_space<vmem>> -> memref<32768xf32, #tpu.memory_space<vmem>>
              %get3A_307 = arith.index_cast %add3A_306 : i32 to index
              %get3A_308 = tpu.vector_load %get3A[%get3A_307] {strides = array<i32>} : memref<32768xf32, #tpu.memory_space<vmem>>, vector<16xf32>,
              %get3A_309 = vector.shape_cast %get3A_308 : vector<16xf32> to vector<16xf32>
              %add3A_310 = arith.constant 128 : i32
              %add3A_311 = arith.addi %mul3A_295, %add3A_310 : i32
              %add3A_312 = arith.addi %add3A_311, %add3A_305 : i32
              %get3A_313 = tpu.memref_slice %run_scoped3A[%mul3A_220] : memref<65536xf32, #tpu.memory_space<vmem>> -> memref<32768xf32, #tpu.memory_space<vmem>>
              %get3A_314 = arith.index_cast %add3A_312 : i32 to index
              %get3A_315 = tpu.vector_load %get3A_313[%get3A_314] {strides = array<i32>} : memref<32768xf32, #tpu.memory_space<vmem>>, vector<16xf32>,
              %get3A_316 = vector.shape_cast %get3A_315 : vector<16xf32> to vector<16xf32>
              %add3A_317 = arith.addf %get3A_309, %get3A_316 : vector<16xf32>
              %add3A_318 = arith.constant 256 : i32
              %add3A_319 = arith.addi %mul3A_295, %add3A_318 : i32
              %add3A_320 = arith.addi %add3A_319, %add3A_305 : i32
              %get3A_321 = tpu.memref_slice %run_scoped3A[%mul3A_220] : memref<65536xf32, #tpu.memory_space<vmem>> -> memref<32768xf32, #tpu.memory_space<vmem>>
              %get3A_322 = arith.index_cast %add3A_320 : i32 to index
              %get3A_323 = tpu.vector_load %get3A_321[%get3A_322] {strides = array<i32>} : memref<32768xf32, #tpu.memory_space<vmem>>, vector<16xf32>,
              %get3A_324 = vector.shape_cast %get3A_323 : vector<16xf32> to vector<16xf32>
              %add3A_325 = arith.addf %add3A_317, %get3A_324 : vector<16xf32>
              %add3A_326 = arith.constant 384 : i32
              %add3A_327 = arith.addi %mul3A_295, %add3A_326 : i32
              %add3A_328 = arith.addi %add3A_327, %add3A_305 : i32
              %get3A_329 = tpu.memref_slice %run_scoped3A[%mul3A_220] : memref<65536xf32, #tpu.memory_space<vmem>> -> memref<32768xf32, #tpu.memory_space<vmem>>
              %get3A_330 = arith.index_cast %add3A_328 : i32 to index
              %get3A_331 = tpu.vector_load %get3A_329[%get3A_330] {strides = array<i32>} : memref<32768xf32, #tpu.memory_space<vmem>>, vector<16xf32>,
              %get3A_332 = vector.shape_cast %get3A_331 : vector<16xf32> to vector<16xf32>
              %add3A_333 = arith.addf %add3A_325, %get3A_332 : vector<16xf32>
              %add3A_334 = arith.constant 512 : i32
              %add3A_335 = arith.addi %mul3A_295, %add3A_334 : i32
              %add3A_336 = arith.addi %add3A_335, %add3A_305 : i32
              %get3A_337 = tpu.memref_slice %run_scoped3A[%mul3A_220] : memref<65536xf32, #tpu.memory_space<vmem>> -> memref<32768xf32, #tpu.memory_space<vmem>>
              %get3A_338 = arith.index_cast %add3A_336 : i32 to index
              %get3A_339 = tpu.vector_load %get3A_337[%get3A_338] {strides = array<i32>} : memref<32768xf32, #tpu.memory_space<vmem>>, vector<16xf32>,
              %get3A_340 = vector.shape_cast %get3A_339 : vector<16xf32> to vector<16xf32>
              %add3A_341 = arith.addf %add3A_333, %get3A_340 : vector<16xf32>
              %add3A_342 = arith.constant 640 : i32
              %add3A_343 = arith.addi %mul3A_295, %add3A_342 : i32
              %add3A_344 = arith.addi %add3A_343, %add3A_305 : i32
              %get3A_345 = tpu.memref_slice %run_scoped3A[%mul3A_220] : memref<65536xf32, #tpu.memory_space<vmem>> -> memref<32768xf32, #tpu.memory_space<vmem>>
              %get3A_346 = arith.index_cast %add3A_344 : i32 to index
              %get3A_347 = tpu.vector_load %get3A_345[%get3A_346] {strides = array<i32>} : memref<32768xf32, #tpu.memory_space<vmem>>, vector<16xf32>,
              %get3A_348 = vector.shape_cast %get3A_347 : vector<16xf32> to vector<16xf32>
              %add3A_349 = arith.addf %add3A_341, %get3A_348 : vector<16xf32>
              %add3A_350 = arith.constant 768 : i32
              %add3A_351 = arith.addi %mul3A_295, %add3A_350 : i32
              %add3A_352 = arith.addi %add3A_351, %add3A_305 : i32
              %get3A_353 = tpu.memref_slice %run_scoped3A[%mul3A_220] : memref<65536xf32, #tpu.memory_space<vmem>> -> memref<32768xf32, #tpu.memory_space<vmem>>
              %get3A_354 = arith.index_cast %add3A_352 : i32 to index
              %get3A_355 = tpu.vector_load %get3A_353[%get3A_354] {strides = array<i32>} : memref<32768xf32, #tpu.memory_space<vmem>>, vector<16xf32>,
              %get3A_356 = vector.shape_cast %get3A_355 : vector<16xf32> to vector<16xf32>
              %add3A_357 = arith.addf %add3A_349, %get3A_356 : vector<16xf32>
              %add3A_358 = arith.constant 896 : i32
              %add3A_359 = arith.addi %mul3A_295, %add3A_358 : i32
              %add3A_360 = arith.addi %add3A_359, %add3A_305 : i32
              %get3A_361 = tpu.memref_slice %run_scoped3A[%mul3A_220] : memref<65536xf32, #tpu.memory_space<vmem>> -> memref<32768xf32, #tpu.memory_space<vmem>>
              %get3A_362 = arith.index_cast %add3A_360 : i32 to index
              %get3A_363 = tpu.vector_load %get3A_361[%get3A_362] {strides = array<i32>} : memref<32768xf32, #tpu.memory_space<vmem>>, vector<16xf32>,
              %get3A_364 = vector.shape_cast %get3A_363 : vector<16xf32> to vector<16xf32>
              %add3A_365 = arith.addf %add3A_357, %get3A_364 : vector<16xf32>
              %add3A_366 = arith.constant 1024 : i32
              %add3A_367 = arith.addi %mul3A_295, %add3A_366 : i32
              %add3A_368 = arith.addi %add3A_367, %add3A_305 : i32
              %get3A_369 = tpu.memref_slice %run_scoped3A[%mul3A_220] : memref<65536xf32, #tpu.memory_space<vmem>> -> memref<32768xf32, #tpu.memory_space<vmem>>
              %get3A_370 = arith.index_cast %add3A_368 : i32 to index
              %get3A_371 = tpu.vector_load %get3A_369[%get3A_370] {strides = array<i32>} : memref<32768xf32, #tpu.memory_space<vmem>>, vector<16xf32>,
              %get3A_372 = vector.shape_cast %get3A_371 : vector<16xf32> to vector<16xf32>
              %add3A_373 = arith.addf %add3A_365, %get3A_372 : vector<16xf32>
              %add3A_374 = arith.constant 1152 : i32
              %add3A_375 = arith.addi %mul3A_295, %add3A_374 : i32
              %add3A_376 = arith.addi %add3A_375, %add3A_305 : i32
              %get3A_377 = tpu.memref_slice %run_scoped3A[%mul3A_220] : memref<65536xf32, #tpu.memory_space<vmem>> -> memref<32768xf32, #tpu.memory_space<vmem>>
              %get3A_378 = arith.index_cast %add3A_376 : i32 to index
              %get3A_379 = tpu.vector_load %get3A_377[%get3A_378] {strides = array<i32>} : memref<32768xf32, #tpu.memory_space<vmem>>, vector<16xf32>,
              %get3A_380 = vector.shape_cast %get3A_379 : vector<16xf32> to vector<16xf32>
              %add3A_381 = arith.addf %add3A_373, %get3A_380 : vector<16xf32>
              %add3A_382 = arith.constant 1280 : i32
              %add3A_383 = arith.addi %mul3A_295, %add3A_382 : i32
              %add3A_384 = arith.addi %add3A_383, %add3A_305 : i32
              %get3A_385 = tpu.memref_slice %run_scoped3A[%mul3A_220] : memref<65536xf32, #tpu.memory_space<vmem>> -> memref<32768xf32, #tpu.memory_space<vmem>>
              %get3A_386 = arith.index_cast %add3A_384 : i32 to index
              %get3A_387 = tpu.vector_load %get3A_385[%get3A_386] {strides = array<i32>} : memref<32768xf32, #tpu.memory_space<vmem>>, vector<16xf32>,
              %get3A_388 = vector.shape_cast %get3A_387 : vector<16xf32> to vector<16xf32>
              %add3A_389 = arith.addf %add3A_381, %get3A_388 : vector<16xf32>
              %add3A_390 = arith.constant 1408 : i32
              %add3A_391 = arith.addi %mul3A_295, %add3A_390 : i32
              %add3A_392 = arith.addi %add3A_391, %add3A_305 : i32
              %get3A_393 = tpu.memref_slice %run_scoped3A[%mul3A_220] : memref<65536xf32, #tpu.memory_space<vmem>> -> memref<32768xf32, #tpu.memory_space<vmem>>
              %get3A_394 = arith.index_cast %add3A_392 : i32 to index
              %get3A_395 = tpu.vector_load %get3A_393[%get3A_394] {strides = array<i32>} : memref<32768xf32, #tpu.memory_space<vmem>>, vector<16xf32>,
              %get3A_396 = vector.shape_cast %get3A_395 : vector<16xf32> to vector<16xf32>
              %add3A_397 = arith.addf %add3A_389, %get3A_396 : vector<16xf32>
              %add3A_398 = arith.constant 1536 : i32
              %add3A_399 = arith.addi %mul3A_295, %add3A_398 : i32
              %add3A_400 = arith.addi %add3A_399, %add3A_305 : i32
              %get3A_401 = tpu.memref_slice %run_scoped3A[%mul3A_220] : memref<65536xf32, #tpu.memory_space<vmem>> -> memref<32768xf32, #tpu.memory_space<vmem>>
              %get3A_402 = arith.index_cast %add3A_400 : i32 to index
              %get3A_403 = tpu.vector_load %get3A_401[%get3A_402] {strides = array<i32>} : memref<32768xf32, #tpu.memory_space<vmem>>, vector<16xf32>,
              %get3A_404 = vector.shape_cast %get3A_403 : vector<16xf32> to vector<16xf32>
              %add3A_405 = arith.addf %add3A_397, %get3A_404 : vector<16xf32>
              %add3A_406 = arith.constant 1664 : i32
              %add3A_407 = arith.addi %mul3A_295, %add3A_406 : i32
              %add3A_408 = arith.addi %add3A_407, %add3A_305 : i32
              %get3A_409 = tpu.memref_slice %run_scoped3A[%mul3A_220] : memref<65536xf32, #tpu.memory_space<vmem>> -> memref<32768xf32, #tpu.memory_space<vmem>>
              %get3A_410 = arith.index_cast %add3A_408 : i32 to index
              %get3A_411 = tpu.vector_load %get3A_409[%get3A_410] {strides = array<i32>} : memref<32768xf32, #tpu.memory_space<vmem>>, vector<16xf32>,
              %get3A_412 = vector.shape_cast %get3A_411 : vector<16xf32> to vector<16xf32>
              %add3A_413 = arith.addf %add3A_405, %get3A_412 : vector<16xf32>
              %add3A_414 = arith.constant 1792 : i32
              %add3A_415 = arith.addi %mul3A_295, %add3A_414 : i32
              %add3A_416 = arith.addi %add3A_415, %add3A_305 : i32
              %get3A_417 = tpu.memref_slice %run_scoped3A[%mul3A_220] : memref<65536xf32, #tpu.memory_space<vmem>> -> memref<32768xf32, #tpu.memory_space<vmem>>
              %get3A_418 = arith.index_cast %add3A_416 : i32 to index
              %get3A_419 = tpu.vector_load %get3A_417[%get3A_418] {strides = array<i32>} : memref<32768xf32, #tpu.memory_space<vmem>>, vector<16xf32>,
              %get3A_420 = vector.shape_cast %get3A_419 : vector<16xf32> to vector<16xf32>
              %add3A_421 = arith.addf %add3A_413, %get3A_420 : vector<16xf32>
              %add3A_422 = arith.constant 1920 : i32
              %add3A_423 = arith.addi %mul3A_295, %add3A_422 : i32
              %add3A_424 = arith.addi %add3A_423, %add3A_305 : i32
              %get3A_425 = tpu.memref_slice %run_scoped3A[%mul3A_220] : memref<65536xf32, #tpu.memory_space<vmem>> -> memref<32768xf32, #tpu.memory_space<vmem>>
              %get3A_426 = arith.index_cast %add3A_424 : i32 to index
              %get3A_427 = tpu.vector_load %get3A_425[%get3A_426] {strides = array<i32>} : memref<32768xf32, #tpu.memory_space<vmem>>, vector<16xf32>,
              %get3A_428 = vector.shape_cast %get3A_427 : vector<16xf32> to vector<16xf32>
              %add3A_429 = arith.addf %add3A_421, %get3A_428 : vector<16xf32>
              %add3A_430 = arith.constant 2048 : i32
              %add3A_431 = arith.addi %mul3A_295, %add3A_430 : i32
              %add3A_432 = arith.addi %add3A_431, %add3A_305 : i32
              %get3A_433 = tpu.memref_slice %run_scoped3A[%mul3A_220] : memref<65536xf32, #tpu.memory_space<vmem>> -> memref<32768xf32, #tpu.memory_space<vmem>>
              %get3A_434 = arith.index_cast %add3A_432 : i32 to index
              %get3A_435 = tpu.vector_load %get3A_433[%get3A_434] {strides = array<i32>} : memref<32768xf32, #tpu.memory_space<vmem>>, vector<16xf32>,
              %get3A_436 = vector.shape_cast %get3A_435 : vector<16xf32> to vector<16xf32>
              %add3A_437 = arith.addf %add3A_429, %get3A_436 : vector<16xf32>
              %add3A_438 = arith.constant 2176 : i32
              %add3A_439 = arith.addi %mul3A_295, %add3A_438 : i32
              %add3A_440 = arith.addi %add3A_439, %add3A_305 : i32
              %get3A_441 = tpu.memref_slice %run_scoped3A[%mul3A_220] : memref<65536xf32, #tpu.memory_space<vmem>> -> memref<32768xf32, #tpu.memory_space<vmem>>
              %get3A_442 = arith.index_cast %add3A_440 : i32 to index
              %get3A_443 = tpu.vector_load %get3A_441[%get3A_442] {strides = array<i32>} : memref<32768xf32, #tpu.memory_space<vmem>>, vector<16xf32>,
              %get3A_444 = vector.shape_cast %get3A_443 : vector<16xf32> to vector<16xf32>
              %add3A_445 = arith.addf %add3A_437, %get3A_444 : vector<16xf32>
              %add3A_446 = arith.constant 2304 : i32
              %add3A_447 = arith.addi %mul3A_295, %add3A_446 : i32
              %add3A_448 = arith.addi %add3A_447, %add3A_305 : i32
              %get3A_449 = tpu.memref_slice %run_scoped3A[%mul3A_220] : memref<65536xf32, #tpu.memory_space<vmem>> -> memref<32768xf32, #tpu.memory_space<vmem>>
              %get3A_450 = arith.index_cast %add3A_448 : i32 to index
              %get3A_451 = tpu.vector_load %get3A_449[%get3A_450] {strides = array<i32>} : memref<32768xf32, #tpu.memory_space<vmem>>, vector<16xf32>,
              %get3A_452 = vector.shape_cast %get3A_451 : vector<16xf32> to vector<16xf32>
              %add3A_453 = arith.addf %add3A_445, %get3A_452 : vector<16xf32>
              %add3A_454 = arith.constant 2432 : i32
              %add3A_455 = arith.addi %mul3A_295, %add3A_454 : i32
              %add3A_456 = arith.addi %add3A_455, %add3A_305 : i32
              %get3A_457 = tpu.memref_slice %run_scoped3A[%mul3A_220] : memref<65536xf32, #tpu.memory_space<vmem>> -> memref<32768xf32, #tpu.memory_space<vmem>>
              %get3A_458 = arith.index_cast %add3A_456 : i32 to index
              %get3A_459 = tpu.vector_load %get3A_457[%get3A_458] {strides = array<i32>} : memref<32768xf32, #tpu.memory_space<vmem>>, vector<16xf32>,
              %get3A_460 = vector.shape_cast %get3A_459 : vector<16xf32> to vector<16xf32>
              %add3A_461 = arith.addf %add3A_453, %get3A_460 : vector<16xf32>
              %add3A_462 = arith.constant 2560 : i32
              %add3A_463 = arith.addi %mul3A_295, %add3A_462 : i32
              %add3A_464 = arith.addi %add3A_463, %add3A_305 : i32
              %get3A_465 = tpu.memref_slice %run_scoped3A[%mul3A_220] : memref<65536xf32, #tpu.memory_space<vmem>> -> memref<32768xf32, #tpu.memory_space<vmem>>
              %get3A_466 = arith.index_cast %add3A_464 : i32 to index
              %get3A_467 = tpu.vector_load %get3A_465[%get3A_466] {strides = array<i32>} : memref<32768xf32, #tpu.memory_space<vmem>>, vector<16xf32>,
              %get3A_468 = vector.shape_cast %get3A_467 : vector<16xf32> to vector<16xf32>
              %add3A_469 = arith.addf %add3A_461, %get3A_468 : vector<16xf32>
              %add3A_470 = arith.constant 2688 : i32
              %add3A_471 = arith.addi %mul3A_295, %add3A_470 : i32
              %add3A_472 = arith.addi %add3A_471, %add3A_305 : i32
              %get3A_473 = tpu.memref_slice %run_scoped3A[%mul3A_220] : memref<65536xf32, #tpu.memory_space<vmem>> -> memref<32768xf32, #tpu.memory_space<vmem>>
              %get3A_474 = arith.index_cast %add3A_472 : i32 to index
              %get3A_475 = tpu.vector_load %get3A_473[%get3A_474] {strides = array<i32>} : memref<32768xf32, #tpu.memory_space<vmem>>, vector<16xf32>,
              %get3A_476 = vector.shape_cast %get3A_475 : vector<16xf32> to vector<16xf32>
              %add3A_477 = arith.addf %add3A_469, %get3A_476 : vector<16xf32>
              %add3A_478 = arith.constant 2816 : i32
              %add3A_479 = arith.addi %mul3A_295, %add3A_478 : i32
              %add3A_480 = arith.addi %add3A_479, %add3A_305 : i32
              %get3A_481 = tpu.memref_slice %run_scoped3A[%mul3A_220] : memref<65536xf32, #tpu.memory_space<vmem>> -> memref<32768xf32, #tpu.memory_space<vmem>>
              %get3A_482 = arith.index_cast %add3A_480 : i32 to index
              %get3A_483 = tpu.vector_load %get3A_481[%get3A_482] {strides = array<i32>} : memref<32768xf32, #tpu.memory_space<vmem>>, vector<16xf32>,
              %get3A_484 = vector.shape_cast %get3A_483 : vector<16xf32> to vector<16xf32>
              %add3A_485 = arith.addf %add3A_477, %get3A_484 : vector<16xf32>
              %add3A_486 = arith.constant 2944 : i32
              %add3A_487 = arith.addi %mul3A_295, %add3A_486 : i32
              %add3A_488 = arith.addi %add3A_487, %add3A_305 : i32
              %get3A_489 = tpu.memref_slice %run_scoped3A[%mul3A_220] : memref<65536xf32, #tpu.memory_space<vmem>> -> memref<32768xf32, #tpu.memory_space<vmem>>
              %get3A_490 = arith.index_cast %add3A_488 : i32 to index
              %get3A_491 = tpu.vector_load %get3A_489[%get3A_490] {strides = array<i32>} : memref<32768xf32, #tpu.memory_space<vmem>>, vector<16xf32>,
              %get3A_492 = vector.shape_cast %get3A_491 : vector<16xf32> to vector<16xf32>
              %add3A_493 = arith.addf %add3A_485, %get3A_492 : vector<16xf32>
              %add3A_494 = arith.constant 3072 : i32
              %add3A_495 = arith.addi %mul3A_295, %add3A_494 : i32
              %add3A_496 = arith.addi %add3A_495, %add3A_305 : i32
              %get3A_497 = tpu.memref_slice %run_scoped3A[%mul3A_220] : memref<65536xf32, #tpu.memory_space<vmem>> -> memref<32768xf32, #tpu.memory_space<vmem>>
              %get3A_498 = arith.index_cast %add3A_496 : i32 to index
              %get3A_499 = tpu.vector_load %get3A_497[%get3A_498] {strides = array<i32>} : memref<32768xf32, #tpu.memory_space<vmem>>, vector<16xf32>,
              %get3A_500 = vector.shape_cast %get3A_499 : vector<16xf32> to vector<16xf32>
              %add3A_501 = arith.addf %add3A_493, %get3A_500 : vector<16xf32>
              %add3A_502 = arith.constant 3200 : i32
              %add3A_503 = arith.addi %mul3A_295, %add3A_502 : i32
              %add3A_504 = arith.addi %add3A_503, %add3A_305 : i32
              %get3A_505 = tpu.memref_slice %run_scoped3A[%mul3A_220] : memref<65536xf32, #tpu.memory_space<vmem>> -> memref<32768xf32, #tpu.memory_space<vmem>>
              %get3A_506 = arith.index_cast %add3A_504 : i32 to index
              %get3A_507 = tpu.vector_load %get3A_505[%get3A_506] {strides = array<i32>} : memref<32768xf32, #tpu.memory_space<vmem>>, vector<16xf32>,
              %get3A_508 = vector.shape_cast %get3A_507 : vector<16xf32> to vector<16xf32>
              %add3A_509 = arith.addf %add3A_501, %get3A_508 : vector<16xf32>
              %add3A_510 = arith.constant 3328 : i32
              %add3A_511 = arith.addi %mul3A_295, %add3A_510 : i32
              %add3A_512 = arith.addi %add3A_511, %add3A_305 : i32
              %get3A_513 = tpu.memref_slice %run_scoped3A[%mul3A_220] : memref<65536xf32, #tpu.memory_space<vmem>> -> memref<32768xf32, #tpu.memory_space<vmem>>
              %get3A_514 = arith.index_cast %add3A_512 : i32 to index
              %get3A_515 = tpu.vector_load %get3A_513[%get3A_514] {strides = array<i32>} : memref<32768xf32, #tpu.memory_space<vmem>>, vector<16xf32>,
              %get3A_516 = vector.shape_cast %get3A_515 : vector<16xf32> to vector<16xf32>
              %add3A_517 = arith.addf %add3A_509, %get3A_516 : vector<16xf32>
              %add3A_518 = arith.constant 3456 : i32
              %add3A_519 = arith.addi %mul3A_295, %add3A_518 : i32
              %add3A_520 = arith.addi %add3A_519, %add3A_305 : i32
              %get3A_521 = tpu.memref_slice %run_scoped3A[%mul3A_220] : memref<65536xf32, #tpu.memory_space<vmem>> -> memref<32768xf32, #tpu.memory_space<vmem>>
              %get3A_522 = arith.index_cast %add3A_520 : i32 to index
              %get3A_523 = tpu.vector_load %get3A_521[%get3A_522] {strides = array<i32>} : memref<32768xf32, #tpu.memory_space<vmem>>, vector<16xf32>,
              %get3A_524 = vector.shape_cast %get3A_523 : vector<16xf32> to vector<16xf32>
              %add3A_525 = arith.addf %add3A_517, %get3A_524 : vector<16xf32>
              %add3A_526 = arith.constant 3584 : i32
              %add3A_527 = arith.addi %mul3A_295, %add3A_526 : i32
              %add3A_528 = arith.addi %add3A_527, %add3A_305 : i32
              %get3A_529 = tpu.memref_slice %run_scoped3A[%mul3A_220] : memref<65536xf32, #tpu.memory_space<vmem>> -> memref<32768xf32, #tpu.memory_space<vmem>>
              %get3A_530 = arith.index_cast %add3A_528 : i32 to index
              %get3A_531 = tpu.vector_load %get3A_529[%get3A_530] {strides = array<i32>} : memref<32768xf32, #tpu.memory_space<vmem>>, vector<16xf32>,
              %get3A_532 = vector.shape_cast %get3A_531 : vector<16xf32> to vector<16xf32>
              %add3A_533 = arith.addf %add3A_525, %get3A_532 : vector<16xf32>
              %add3A_534 = arith.constant 3712 : i32
              %add3A_535 = arith.addi %mul3A_295, %add3A_534 : i32
              %add3A_536 = arith.addi %add3A_535, %add3A_305 : i32
              %get3A_537 = tpu.memref_slice %run_scoped3A[%mul3A_220] : memref<65536xf32, #tpu.memory_space<vmem>> -> memref<32768xf32, #tpu.memory_space<vmem>>
              %get3A_538 = arith.index_cast %add3A_536 : i32 to index
              %get3A_539 = tpu.vector_load %get3A_537[%get3A_538] {strides = array<i32>} : memref<32768xf32, #tpu.memory_space<vmem>>, vector<16xf32>,
              %get3A_540 = vector.shape_cast %get3A_539 : vector<16xf32> to vector<16xf32>
              %add3A_541 = arith.addf %add3A_533, %get3A_540 : vector<16xf32>
              %add3A_542 = arith.constant 3840 : i32
              %add3A_543 = arith.addi %mul3A_295, %add3A_542 : i32
              %add3A_544 = arith.addi %add3A_543, %add3A_305 : i32
              %get3A_545 = tpu.memref_slice %run_scoped3A[%mul3A_220] : memref<65536xf32, #tpu.memory_space<vmem>> -> memref<32768xf32, #tpu.memory_space<vmem>>
              %get3A_546 = arith.index_cast %add3A_544 : i32 to index
              %get3A_547 = tpu.vector_load %get3A_545[%get3A_546] {strides = array<i32>} : memref<32768xf32, #tpu.memory_space<vmem>>, vector<16xf32>,
              %get3A_548 = vector.shape_cast %get3A_547 : vector<16xf32> to vector<16xf32>
              %add3A_549 = arith.addf %add3A_541, %get3A_548 : vector<16xf32>
              %add3A_550 = arith.constant 3968 : i32
              %add3A_551 = arith.addi %mul3A_295, %add3A_550 : i32
              %add3A_552 = arith.addi %add3A_551, %add3A_305 : i32
              %get3A_553 = tpu.memref_slice %run_scoped3A[%mul3A_220] : memref<65536xf32, #tpu.memory_space<vmem>> -> memref<32768xf32, #tpu.memory_space<vmem>>
              %get3A_554 = arith.index_cast %add3A_552 : i32 to index
              %get3A_555 = tpu.vector_load %get3A_553[%get3A_554] {strides = array<i32>} : memref<32768xf32, #tpu.memory_space<vmem>>, vector<16xf32>,
              %get3A_556 = vector.shape_cast %get3A_555 : vector<16xf32> to vector<16xf32>
              %add3A_557 = arith.addf %add3A_549, %get3A_556 : vector<16xf32>
              %mul3A_558 = arith.constant 128 : i32
              %mul3A_559 = arith.muli %add3A_293, %mul3A_558 : i32
              %add3A_560 = arith.addi %mul3A_559, %add3A_305 : i32
              %swap3A = tpu.memref_slice %run_scoped3A_18[%mul3A_224] : memref<2048xf32, #tpu.memory_space<vmem>> -> memref<1024xf32, #tpu.memory_space<vmem>>
              %swap3A_561 = arith.index_cast %add3A_560 : i32 to index
              %swap3A_562 = tpu.vector_load %swap3A[%swap3A_561] {strides = array<i32>} : memref<1024xf32, #tpu.memory_space<vmem>>, vector<16xf32>,
              %swap3A_563 = vector.shape_cast %swap3A_562 : vector<16xf32> to vector<16xf32>
              %swap3A_564 = vector.shape_cast %add3A_557 : vector<16xf32> to vector<16xf32>
              tpu.vector_store %swap3A[%swap3A_561], %swap3A_564 {strides = array<i32>} : memref<1024xf32, #tpu.memory_space<vmem>>, vector<16xf32>,
            }
            %scan3A_300 = arith.constant 8 : i32
          }
          %scan3A_228 = arith.constant 8 : i32
          "tpu.trace_stop"() : () -> ()
          %ne3A_229 = arith.cmpi ne, %add3A_151, %add3A_169 : i32
          %or3A_230 = arith.constant false
          %or3A_231 = arith.ori %or3A_230, %ne3A_229 : i1
          %or3A_232 = arith.ori %or3A_231, %eq3A_150 : i1
          %convert_element_type3A_233 = arith.extui %or3A_232 : i1 to i32
          %cond3A_234 = arith.constant 0 : i32
          %cond3A_235 = arith.cmpi ne, %convert_element_type3A_233, %cond3A_234 : i32
          scf.if %cond3A_235 {
          } else {
          }
          %and3A_236 = arith.constant false
          %and3A_237 = arith.andi %or3A_232, %and3A_236 : i1
          %ne3A_238 = arith.cmpi ne, %add3A_151, %add3A_169 : i32
          %or3A_239 = arith.constant false
          %or3A_240 = arith.ori %or3A_239, %ne3A_238 : i1
          %or3A_241 = arith.ori %or3A_240, %eq3A_150 : i1
          %convert_element_type3A_242 = arith.extui %or3A_241 : i1 to i32
          %cond3A_243 = arith.constant 0 : i32
          %cond3A_244 = arith.cmpi ne, %convert_element_type3A_242, %cond3A_243 : i32
          scf.if %cond3A_244 {
            "tpu.trace_start"() <{level = 10 : i32, message = "ep_copy_out"}> : () -> ()
            %rem3A_289 = arith.constant 2 : i32
            %rem3A_290 = arith.remui %while3A_141, %rem3A_289 : i32
            %mul3A_291 = arith.constant 1024 : i32
            %mul3A_292 = arith.muli %mul3A_291, %add3A_151 : i32
            %mul3A_293 = arith.constant 1024 : i32
            %mul3A_294 = arith.muli %rem3A_290, %mul3A_293 : i32
            %add3A_295 = arith.constant 0 : i32
            %add3A_296 = arith.addi %mul3A_294, %add3A_295 : i32
            %dma_start3A_297 = tpu.memref_slice %run_scoped3A_18[%add3A_296] : memref<2048xf32, #tpu.memory_space<vmem>> -> memref<1024xf32, #tpu.memory_space<vmem>>
            %dma_start3A_298 = tpu.memref_slice %arg3[%mul3A_292] : memref<307200xf32, #tpu.memory_space<hbm>> -> memref<1024xf32, #tpu.memory_space<hbm>>
            %dma_start3A_299 = tpu.memref_slice %run_scoped3A_19[%rem3A_290] : memref<2x!tpu.dma_semaphore, #tpu.memory_space<semaphore_mem>> -> memref<1x!tpu.dma_semaphore, #tpu.memory_space<semaphore_mem>>
            %dma_start3A_300 = tpu.memref_squeeze %dma_start3A_299 : memref<1x!tpu.dma_semaphore, #tpu.memory_space<semaphore_mem>> -> memref<!tpu.dma_semaphore, #tpu.memory_space<semaphore_mem>>
            %dma_start3A_301 = tpu.memref_slice %arg3[%mul3A_292] : memref<307200xf32, #tpu.memory_space<hbm>> -> memref<1024xf32, #tpu.memory_space<hbm>>
            %dma_start3A_302 = tpu.memref_slice %run_scoped3A_18[%add3A_296] : memref<2048xf32, #tpu.memory_space<vmem>> -> memref<1024xf32, #tpu.memory_space<vmem>>
            tpu.enqueue_dma source(%dma_start3A_302 : memref<1024xf32, #tpu.memory_space<vmem>>) target(%dma_start3A_301 : memref<1024xf32, #tpu.memory_space<hbm>>) target_semaphore(%dma_start3A_300 : memref<!tpu.dma_semaphore, #tpu.memory_space<semaphore_mem>>)
            "tpu.trace_stop"() : () -> ()
          } else {
          }
          %and3A_245 = arith.constant true
          %and3A_246 = arith.andi %or3A_241, %and3A_245 : i1
          %add3A_247 = arith.constant 1 : i32
          %add3A_248 = arith.addi %while3A_141, %add3A_247 : i32
          %select_n3A_249 = arith.select %and3A_246, %add3A_248, %while3A_141 : i32
          %ne3A_250 = arith.cmpi ne, %add3A_151, %add3A_161 : i32
          %or3A_251 = arith.constant false
          %or3A_252 = arith.ori %or3A_251, %ne3A_250 : i1
          %not3A_253 = arith.constant true
          %not3A_254 = arith.xori %eq3A_147, %not3A_253 : i1
          %and3A_255 = arith.andi %or3A_252, %not3A_254 : i1
          %convert_element_type3A_256 = arith.extui %and3A_255 : i1 to i32
          %cond3A_257 = arith.constant 0 : i32
          %cond3A_258 = arith.cmpi ne, %convert_element_type3A_256, %cond3A_257 : i32
          scf.if %cond3A_258 {
          } else {
          }
          %and3A_259 = arith.constant false
          %and3A_260 = arith.andi %and3A_255, %and3A_259 : i1
          %ne3A_261 = arith.cmpi ne, %add3A_151, %add3A_161 : i32
          %or3A_262 = arith.constant false
          %or3A_263 = arith.ori %or3A_262, %ne3A_261 : i1
          %not3A_264 = arith.constant true
          %not3A_265 = arith.xori %eq3A_147, %not3A_264 : i1
          %and3A_266 = arith.andi %or3A_263, %not3A_265 : i1
          %convert_element_type3A_267 = arith.extui %and3A_266 : i1 to i32
          %cond3A_268 = arith.constant 0 : i32
          %cond3A_269 = arith.cmpi ne, %convert_element_type3A_267, %cond3A_268 : i32
          scf.if %cond3A_269 {
            "tpu.trace_start"() <{level = 10 : i32, message = "ep_wait_out"}> : () -> ()
            %rem3A_289 = arith.constant 2 : i32
            %rem3A_290 = arith.remui %while3A_142, %rem3A_289 : i32
            %mul3A_291 = arith.constant 1024 : i32
            %mul3A_292 = arith.muli %mul3A_291, %add3A_161 : i32
            %mul3A_293 = arith.constant 1024 : i32
            %mul3A_294 = arith.muli %rem3A_290, %mul3A_293 : i32
            %add3A_295 = arith.constant 0 : i32
            %add3A_296 = arith.addi %mul3A_294, %add3A_295 : i32
            %dma_wait3A = tpu.memref_slice %run_scoped3A_18[%add3A_296] : memref<2048xf32, #tpu.memory_space<vmem>> -> memref<1024xf32, #tpu.memory_space<vmem>>
            %dma_wait3A_297 = tpu.memref_slice %arg3[%mul3A_292] : memref<307200xf32, #tpu.memory_space<hbm>> -> memref<1024xf32, #tpu.memory_space<hbm>>
            %dma_wait3A_298 = tpu.memref_slice %run_scoped3A_19[%rem3A_290] : memref<2x!tpu.dma_semaphore, #tpu.memory_space<semaphore_mem>> -> memref<1x!tpu.dma_semaphore, #tpu.memory_space<semaphore_mem>>
            %dma_wait3A_299 = tpu.memref_squeeze %dma_wait3A_298 : memref<1x!tpu.dma_semaphore, #tpu.memory_space<semaphore_mem>> -> memref<!tpu.dma_semaphore, #tpu.memory_space<semaphore_mem>>
            %dma_wait3A_300 = tpu.memref_slice %arg3[%mul3A_292] : memref<307200xf32, #tpu.memory_space<hbm>> -> memref<1024xf32, #tpu.memory_space<hbm>>
            %dma_wait3A_301 = tpu.memref_slice %run_scoped3A_18[%add3A_296] : memref<2048xf32, #tpu.memory_space<vmem>> -> memref<1024xf32, #tpu.memory_space<vmem>>
            tpu.wait_dma2 semaphore(%dma_wait3A_299 : memref<!tpu.dma_semaphore, #tpu.memory_space<semaphore_mem>>) src(%dma_wait3A_301 : memref<1024xf32, #tpu.memory_space<vmem>>) dst(%dma_wait3A_300 : memref<1024xf32, #tpu.memory_space<hbm>>)
            "tpu.trace_stop"() : () -> ()
          } else {
          }
          %and3A_270 = arith.constant true
          %and3A_271 = arith.andi %and3A_266, %and3A_270 : i1
          %add3A_272 = arith.constant 1 : i32
          %add3A_273 = arith.addi %while3A_142, %add3A_272 : i32
          %select_n3A_274 = arith.select %and3A_271, %add3A_273, %while3A_142 : i32
          %ne3A_275 = arith.cmpi ne, %add3A_151, %add3A_169 : i32
          %or3A_276 = arith.constant false
          %or3A_277 = arith.ori %or3A_276, %ne3A_275 : i1
          %or3A_278 = arith.ori %or3A_277, %eq3A_150 : i1
          %add3A_279 = arith.constant 1 : i32
          %add3A_280 = arith.addi %while3A_140, %add3A_279 : i32
          %select_n3A_281 = arith.select %or3A_278, %add3A_280, %while3A_140 : i32
          %add3A_282 = arith.constant 1 : i32
          %add3A_283 = arith.addi %while3A_143, %add3A_282 : i32
          %select_n3A_284 = arith.constant true
          %select_n3A_285 = arith.select %select_n3A_284, %add3A_283, %while3A_143 : i32
          %eq3A_286 = arith.cmpi eq, %select_n3A_285, %select_n3A : i32
          %select_n3A_287 = arith.constant 0 : i32
          %select_n3A_288 = arith.select %eq3A_286, %select_n3A_287, %select_n3A_285 : i32
          scf.yield %select_n3A_191, %select_n3A_281, %select_n3A_249, %select_n3A_274, %select_n3A_288 : i32, i32, i32, i32, i32
        }
        %while3A_85 = arith.constant 1 : i32
        %while3A_86:5 = scf.for %while3A_138 = %while3A_82 to %while3A_78 step %while3A_85 iter_args(%while3A_139 = %while3A_84#0, %while3A_140 = %while3A_84#1, %while3A_141 = %while3A_84#2, %while3A_142 = %while3A_84#3, %while3A_143 = %while3A_84#4) -> (i32, i32, i32, i32, i32)  : i32 {
          %mul3A_144 = arith.constant 1 : i32
          %mul3A_145 = arith.muli %mul3A_144, %select_n3A : i32
          %eq3A_146 = arith.constant 0 : i32
          %eq3A_147 = arith.cmpi eq, %while3A_138, %eq3A_146 : i32
          %sub3A_148 = arith.constant 1 : i32
          %sub3A_149 = arith.subi %mul3A_145, %sub3A_148 : i32
          %eq3A_150 = arith.cmpi eq, %while3A_138, %sub3A_149 : i32
          %add3A_151 = arith.addi %while3A_143, %select_n3A_14 : i32
          %sub3A_152 = arith.constant 1 : i32
          %sub3A_153 = arith.subi %while3A_143, %sub3A_152 : i32
          %select_n3A_154 = arith.constant true
          %select_n3A_155 = arith.select %select_n3A_154, %sub3A_153, %while3A_143 : i32
          %eq3A_156 = arith.constant -1 : i32
          %eq3A_157 = arith.cmpi eq, %select_n3A_155, %eq3A_156 : i32
          %sub3A_158 = arith.constant 1 : i32
          %sub3A_159 = arith.subi %select_n3A, %sub3A_158 : i32
          %select_n3A_160 = arith.select %eq3A_157, %sub3A_159, %select_n3A_155 : i32
          %add3A_161 = arith.addi %select_n3A_160, %select_n3A_14 : i32
          %add3A_162 = arith.constant 1 : i32
          %add3A_163 = arith.addi %while3A_143, %add3A_162 : i32
          %select_n3A_164 = arith.constant true
          %select_n3A_165 = arith.select %select_n3A_164, %add3A_163, %while3A_143 : i32
          %eq3A_166 = arith.cmpi eq, %select_n3A_165, %select_n3A : i32
          %select_n3A_167 = arith.constant 0 : i32
          %select_n3A_168 = arith.select %eq3A_166, %select_n3A_167, %select_n3A_165 : i32
          %add3A_169 = arith.addi %select_n3A_168, %select_n3A_14 : i32
          %add3A_170 = arith.constant 1 : i32
          %add3A_171 = arith.addi %select_n3A_168, %add3A_170 : i32
          %select_n3A_172 = arith.constant true
          %select_n3A_173 = arith.select %select_n3A_172, %add3A_171, %select_n3A_168 : i32
          %eq3A_174 = arith.cmpi eq, %select_n3A_173, %select_n3A : i32
          %select_n3A_175 = arith.constant 0 : i32
          %select_n3A_176 = arith.select %eq3A_174, %select_n3A_175, %select_n3A_173 : i32
          %add3A_177 = arith.addi %select_n3A_176, %select_n3A_14 : i32
          %ne3A = arith.cmpi ne, %add3A_151, %add3A_169 : i32
          %or3A = arith.constant false
          %or3A_178 = arith.ori %or3A, %ne3A : i1
          %sub3A_179 = arith.constant 2 : i32
          %sub3A_180 = arith.subi %mul3A_145, %sub3A_179 : i32
          %add3A_181 = arith.constant 1 : i32
          %add3A_182 = arith.addi %sub3A_180, %add3A_181 : i32
          %ge3A = arith.cmpi sge, %while3A_138, %add3A_182 : i32
          %not3A = arith.constant true
          %not3A_183 = arith.xori %ge3A, %not3A : i1
          %and3A = arith.andi %or3A_178, %not3A_183 : i1
          %convert_element_type3A_184 = arith.extui %and3A : i1 to i32
          %cond3A_185 = arith.constant 0 : i32
          %cond3A_186 = arith.cmpi ne, %convert_element_type3A_184, %cond3A_185 : i32
          scf.if %cond3A_186 {
            "tpu.trace_start"() <{level = 10 : i32, message = "ep_copy_in"}> : () -> ()
            %rem3A_289 = arith.constant 2 : i32
            %rem3A_290 = arith.remui %while3A_139, %rem3A_289 : i32
            %mul3A_291 = arith.constant 32768 : i32
            %mul3A_292 = arith.muli %mul3A_291, %add3A_169 : i32
            %mul3A_293 = arith.constant 32768 : i32
            %mul3A_294 = arith.muli %rem3A_290, %mul3A_293 : i32
            %add3A_295 = arith.constant 0 : i32
            %add3A_296 = arith.addi %mul3A_294, %add3A_295 : i32
            %dma_start3A_297 = tpu.memref_slice %run_scoped3A[%add3A_296] : memref<65536xf32, #tpu.memory_space<vmem>> -> memref<32768xf32, #tpu.memory_space<vmem>>
            %dma_start3A_298 = tpu.memref_slice %arg2[%mul3A_292] : memref<40960000xf32, #tpu.memory_space<hbm>> -> memref<32768xf32, #tpu.memory_space<hbm>>
            %dma_start3A_299 = tpu.memref_slice %run_scoped3A_17[%rem3A_290] : memref<2x!tpu.dma_semaphore, #tpu.memory_space<semaphore_mem>> -> memref<1x!tpu.dma_semaphore, #tpu.memory_space<semaphore_mem>>
            %dma_start3A_300 = tpu.memref_squeeze %dma_start3A_299 : memref<1x!tpu.dma_semaphore, #tpu.memory_space<semaphore_mem>> -> memref<!tpu.dma_semaphore, #tpu.memory_space<semaphore_mem>>
            %dma_start3A_301 = tpu.memref_slice %run_scoped3A[%add3A_296] : memref<65536xf32, #tpu.memory_space<vmem>> -> memref<32768xf32, #tpu.memory_space<vmem>>
            %dma_start3A_302 = tpu.memref_slice %arg2[%mul3A_292] : memref<40960000xf32, #tpu.memory_space<hbm>> -> memref<32768xf32, #tpu.memory_space<hbm>>
            tpu.enqueue_dma source(%dma_start3A_302 : memref<32768xf32, #tpu.memory_space<hbm>>) target(%dma_start3A_301 : memref<32768xf32, #tpu.memory_space<vmem>>) target_semaphore(%dma_start3A_300 : memref<!tpu.dma_semaphore, #tpu.memory_space<semaphore_mem>>)
            "tpu.trace_stop"() : () -> ()
          } else {
          }
          %and3A_187 = arith.constant true
          %and3A_188 = arith.andi %and3A, %and3A_187 : i1
          %add3A_189 = arith.constant 1 : i32
          %add3A_190 = arith.addi %while3A_139, %add3A_189 : i32
          %select_n3A_191 = arith.select %and3A_188, %add3A_190, %while3A_139 : i32
          %ne3A_192 = arith.cmpi ne, %add3A_151, %add3A_169 : i32
          %or3A_193 = arith.constant false
          %or3A_194 = arith.ori %or3A_193, %ne3A_192 : i1
          %sub3A_195 = arith.constant 2 : i32
          %sub3A_196 = arith.subi %mul3A_145, %sub3A_195 : i32
          %add3A_197 = arith.constant 1 : i32
          %add3A_198 = arith.addi %sub3A_196, %add3A_197 : i32
          %ge3A_199 = arith.cmpi sge, %while3A_138, %add3A_198 : i32
          %not3A_200 = arith.constant true
          %not3A_201 = arith.xori %ge3A_199, %not3A_200 : i1
          %and3A_202 = arith.andi %or3A_194, %not3A_201 : i1
          %ne3A_203 = arith.cmpi ne, %add3A_151, %add3A_161 : i32
          %or3A_204 = arith.constant false
          %or3A_205 = arith.ori %or3A_204, %ne3A_203 : i1
          %or3A_206 = arith.ori %or3A_205, %eq3A_147 : i1
          %convert_element_type3A_207 = arith.extui %or3A_206 : i1 to i32
          %cond3A_208 = arith.constant 0 : i32
          %cond3A_209 = arith.cmpi ne, %convert_element_type3A_207, %cond3A_208 : i32
          scf.if %cond3A_209 {
            "tpu.trace_start"() <{level = 10 : i32, message = "ep_wait_in"}> : () -> ()
            %mul3A_289 = arith.constant 32768 : i32
            %mul3A_290 = arith.muli %mul3A_289, %add3A_151 : i32
            %rem3A_291 = arith.constant 2 : i32
            %rem3A_292 = arith.remui %while3A_140, %rem3A_291 : i32
            %mul3A_293 = arith.constant 32768 : i32
            %mul3A_294 = arith.muli %rem3A_292, %mul3A_293 : i32
            %add3A_295 = arith.constant 0 : i32
            %add3A_296 = arith.addi %mul3A_294, %add3A_295 : i32
            %dma_wait3A = tpu.memref_slice %run_scoped3A[%add3A_296] : memref<65536xf32, #tpu.memory_space<vmem>> -> memref<32768xf32, #tpu.memory_space<vmem>>
            %dma_wait3A_297 = tpu.memref_slice %arg2[%mul3A_290] : memref<40960000xf32, #tpu.memory_space<hbm>> -> memref<32768xf32, #tpu.memory_space<hbm>>
            %dma_wait3A_298 = tpu.memref_slice %run_scoped3A_17[%rem3A_292] : memref<2x!tpu.dma_semaphore, #tpu.memory_space<semaphore_mem>> -> memref<1x!tpu.dma_semaphore, #tpu.memory_space<semaphore_mem>>
            %dma_wait3A_299 = tpu.memref_squeeze %dma_wait3A_298 : memref<1x!tpu.dma_semaphore, #tpu.memory_space<semaphore_mem>> -> memref<!tpu.dma_semaphore, #tpu.memory_space<semaphore_mem>>
            %dma_wait3A_300 = tpu.memref_slice %run_scoped3A[%add3A_296] : memref<65536xf32, #tpu.memory_space<vmem>> -> memref<32768xf32, #tpu.memory_space<vmem>>
            %dma_wait3A_301 = tpu.memref_slice %arg2[%mul3A_290] : memref<40960000xf32, #tpu.memory_space<hbm>> -> memref<32768xf32, #tpu.memory_space<hbm>>
            tpu.wait_dma2 semaphore(%dma_wait3A_299 : memref<!tpu.dma_semaphore, #tpu.memory_space<semaphore_mem>>) src(%dma_wait3A_301 : memref<32768xf32, #tpu.memory_space<hbm>>) dst(%dma_wait3A_300 : memref<32768xf32, #tpu.memory_space<vmem>>)
            "tpu.trace_stop"() : () -> ()
          } else {
          }
          %ne3A_210 = arith.cmpi ne, %add3A_151, %add3A_161 : i32
          %or3A_211 = arith.constant false
          %or3A_212 = arith.ori %or3A_211, %ne3A_210 : i1
          %or3A_213 = arith.ori %or3A_212, %eq3A_147 : i1
          %convert_element_type3A_214 = arith.extui %or3A_213 : i1 to i32
          %cond3A_215 = arith.constant 0 : i32
          %cond3A_216 = arith.cmpi ne, %convert_element_type3A_214, %cond3A_215 : i32
          scf.if %cond3A_216 {
          } else {
          }
          %rem3A_217 = arith.constant 2 : i32
          %rem3A_218 = arith.remui %while3A_140, %rem3A_217 : i32
          %mul3A_219 = arith.constant 32768 : i32
          %mul3A_220 = arith.muli %rem3A_218, %mul3A_219 : i32
          %rem3A_221 = arith.constant 2 : i32
          %rem3A_222 = arith.remui %while3A_141, %rem3A_221 : i32
          %mul3A_223 = arith.constant 1024 : i32
          %mul3A_224 = arith.muli %rem3A_222, %mul3A_223 : i32
          "tpu.trace_start"() <{level = 10 : i32, message = "ep_run_kernel"}> : () -> ()
          %scan3A = arith.constant 0 : i32
          %scan3A_225 = arith.constant 8 : i32
          %scan3A_226 = arith.addi %scan3A, %scan3A_225 : i32
          %scan3A_227 = arith.constant 1 : i32
          scf.for %scan3A_289 = %scan3A to %scan3A_226 step %scan3A_227  : i32 {
            %mul3A_290 = arith.constant 1 : i32
            %mul3A_291 = arith.muli %scan3A_289, %mul3A_290 : i32
            %add3A_292 = arith.constant 0 : i32
            %add3A_293 = arith.addi %add3A_292, %mul3A_291 : i32
            %mul3A_294 = arith.constant 4096 : i32
            %mul3A_295 = arith.muli %add3A_293, %mul3A_294 : i32
            %scan3A_296 = arith.constant 0 : i32
            %scan3A_297 = arith.constant 8 : i32
            %scan3A_298 = arith.addi %scan3A_296, %scan3A_297 : i32
            %scan3A_299 = arith.constant 1 : i32
            scf.for %scan3A_301 = %scan3A_296 to %scan3A_298 step %scan3A_299  : i32 {
              %mul3A_302 = arith.constant 16 : i32
              %mul3A_303 = arith.muli %scan3A_301, %mul3A_302 : i32
              %add3A_304 = arith.constant 0 : i32
              %add3A_305 = arith.addi %add3A_304, %mul3A_303 : i32
              %add3A_306 = arith.addi %mul3A_295, %add3A_305 : i32
              %get3A = tpu.memref_slice %run_scoped3A[%mul3A_220] : memref<65536xf32, #tpu.memory_space<vmem>> -> memref<32768xf32, #tpu.memory_space<vmem>>
              %get3A_307 = arith.index_cast %add3A_306 : i32 to index
              %get3A_308 = tpu.vector_load %get3A[%get3A_307] {strides = array<i32>} : memref<32768xf32, #tpu.memory_space<vmem>>, vector<16xf32>,
              %get3A_309 = vector.shape_cast %get3A_308 : vector<16xf32> to vector<16xf32>
              %add3A_310 = arith.constant 128 : i32
              %add3A_311 = arith.addi %mul3A_295, %add3A_310 : i32
              %add3A_312 = arith.addi %add3A_311, %add3A_305 : i32
              %get3A_313 = tpu.memref_slice %run_scoped3A[%mul3A_220] : memref<65536xf32, #tpu.memory_space<vmem>> -> memref<32768xf32, #tpu.memory_space<vmem>>
              %get3A_314 = arith.index_cast %add3A_312 : i32 to index
              %get3A_315 = tpu.vector_load %get3A_313[%get3A_314] {strides = array<i32>} : memref<32768xf32, #tpu.memory_space<vmem>>, vector<16xf32>,
              %get3A_316 = vector.shape_cast %get3A_315 : vector<16xf32> to vector<16xf32>
              %add3A_317 = arith.addf %get3A_309, %get3A_316 : vector<16xf32>
              %add3A_318 = arith.constant 256 : i32
              %add3A_319 = arith.addi %mul3A_295, %add3A_318 : i32
              %add3A_320 = arith.addi %add3A_319, %add3A_305 : i32
              %get3A_321 = tpu.memref_slice %run_scoped3A[%mul3A_220] : memref<65536xf32, #tpu.memory_space<vmem>> -> memref<32768xf32, #tpu.memory_space<vmem>>
              %get3A_322 = arith.index_cast %add3A_320 : i32 to index
              %get3A_323 = tpu.vector_load %get3A_321[%get3A_322] {strides = array<i32>} : memref<32768xf32, #tpu.memory_space<vmem>>, vector<16xf32>,
              %get3A_324 = vector.shape_cast %get3A_323 : vector<16xf32> to vector<16xf32>
              %add3A_325 = arith.addf %add3A_317, %get3A_324 : vector<16xf32>
              %add3A_326 = arith.constant 384 : i32
              %add3A_327 = arith.addi %mul3A_295, %add3A_326 : i32
              %add3A_328 = arith.addi %add3A_327, %add3A_305 : i32
              %get3A_329 = tpu.memref_slice %run_scoped3A[%mul3A_220] : memref<65536xf32, #tpu.memory_space<vmem>> -> memref<32768xf32, #tpu.memory_space<vmem>>
              %get3A_330 = arith.index_cast %add3A_328 : i32 to index
              %get3A_331 = tpu.vector_load %get3A_329[%get3A_330] {strides = array<i32>} : memref<32768xf32, #tpu.memory_space<vmem>>, vector<16xf32>,
              %get3A_332 = vector.shape_cast %get3A_331 : vector<16xf32> to vector<16xf32>
              %add3A_333 = arith.addf %add3A_325, %get3A_332 : vector<16xf32>
              %add3A_334 = arith.constant 512 : i32
              %add3A_335 = arith.addi %mul3A_295, %add3A_334 : i32
              %add3A_336 = arith.addi %add3A_335, %add3A_305 : i32
              %get3A_337 = tpu.memref_slice %run_scoped3A[%mul3A_220] : memref<65536xf32, #tpu.memory_space<vmem>> -> memref<32768xf32, #tpu.memory_space<vmem>>
              %get3A_338 = arith.index_cast %add3A_336 : i32 to index
              %get3A_339 = tpu.vector_load %get3A_337[%get3A_338] {strides = array<i32>} : memref<32768xf32, #tpu.memory_space<vmem>>, vector<16xf32>,
              %get3A_340 = vector.shape_cast %get3A_339 : vector<16xf32> to vector<16xf32>
              %add3A_341 = arith.addf %add3A_333, %get3A_340 : vector<16xf32>
              %add3A_342 = arith.constant 640 : i32
              %add3A_343 = arith.addi %mul3A_295, %add3A_342 : i32
              %add3A_344 = arith.addi %add3A_343, %add3A_305 : i32
              %get3A_345 = tpu.memref_slice %run_scoped3A[%mul3A_220] : memref<65536xf32, #tpu.memory_space<vmem>> -> memref<32768xf32, #tpu.memory_space<vmem>>
              %get3A_346 = arith.index_cast %add3A_344 : i32 to index
              %get3A_347 = tpu.vector_load %get3A_345[%get3A_346] {strides = array<i32>} : memref<32768xf32, #tpu.memory_space<vmem>>, vector<16xf32>,
              %get3A_348 = vector.shape_cast %get3A_347 : vector<16xf32> to vector<16xf32>
              %add3A_349 = arith.addf %add3A_341, %get3A_348 : vector<16xf32>
              %add3A_350 = arith.constant 768 : i32
              %add3A_351 = arith.addi %mul3A_295, %add3A_350 : i32
              %add3A_352 = arith.addi %add3A_351, %add3A_305 : i32
              %get3A_353 = tpu.memref_slice %run_scoped3A[%mul3A_220] : memref<65536xf32, #tpu.memory_space<vmem>> -> memref<32768xf32, #tpu.memory_space<vmem>>
              %get3A_354 = arith.index_cast %add3A_352 : i32 to index
              %get3A_355 = tpu.vector_load %get3A_353[%get3A_354] {strides = array<i32>} : memref<32768xf32, #tpu.memory_space<vmem>>, vector<16xf32>,
              %get3A_356 = vector.shape_cast %get3A_355 : vector<16xf32> to vector<16xf32>
              %add3A_357 = arith.addf %add3A_349, %get3A_356 : vector<16xf32>
              %add3A_358 = arith.constant 896 : i32
              %add3A_359 = arith.addi %mul3A_295, %add3A_358 : i32
              %add3A_360 = arith.addi %add3A_359, %add3A_305 : i32
              %get3A_361 = tpu.memref_slice %run_scoped3A[%mul3A_220] : memref<65536xf32, #tpu.memory_space<vmem>> -> memref<32768xf32, #tpu.memory_space<vmem>>
              %get3A_362 = arith.index_cast %add3A_360 : i32 to index
              %get3A_363 = tpu.vector_load %get3A_361[%get3A_362] {strides = array<i32>} : memref<32768xf32, #tpu.memory_space<vmem>>, vector<16xf32>,
              %get3A_364 = vector.shape_cast %get3A_363 : vector<16xf32> to vector<16xf32>
              %add3A_365 = arith.addf %add3A_357, %get3A_364 : vector<16xf32>
              %add3A_366 = arith.constant 1024 : i32
              %add3A_367 = arith.addi %mul3A_295, %add3A_366 : i32
              %add3A_368 = arith.addi %add3A_367, %add3A_305 : i32
              %get3A_369 = tpu.memref_slice %run_scoped3A[%mul3A_220] : memref<65536xf32, #tpu.memory_space<vmem>> -> memref<32768xf32, #tpu.memory_space<vmem>>
              %get3A_370 = arith.index_cast %add3A_368 : i32 to index
              %get3A_371 = tpu.vector_load %get3A_369[%get3A_370] {strides = array<i32>} : memref<32768xf32, #tpu.memory_space<vmem>>, vector<16xf32>,
              %get3A_372 = vector.shape_cast %get3A_371 : vector<16xf32> to vector<16xf32>
              %add3A_373 = arith.addf %add3A_365, %get3A_372 : vector<16xf32>
              %add3A_374 = arith.constant 1152 : i32
              %add3A_375 = arith.addi %mul3A_295, %add3A_374 : i32
              %add3A_376 = arith.addi %add3A_375, %add3A_305 : i32
              %get3A_377 = tpu.memref_slice %run_scoped3A[%mul3A_220] : memref<65536xf32, #tpu.memory_space<vmem>> -> memref<32768xf32, #tpu.memory_space<vmem>>
              %get3A_378 = arith.index_cast %add3A_376 : i32 to index
              %get3A_379 = tpu.vector_load %get3A_377[%get3A_378] {strides = array<i32>} : memref<32768xf32, #tpu.memory_space<vmem>>, vector<16xf32>,
              %get3A_380 = vector.shape_cast %get3A_379 : vector<16xf32> to vector<16xf32>
              %add3A_381 = arith.addf %add3A_373, %get3A_380 : vector<16xf32>
              %add3A_382 = arith.constant 1280 : i32
              %add3A_383 = arith.addi %mul3A_295, %add3A_382 : i32
              %add3A_384 = arith.addi %add3A_383, %add3A_305 : i32
              %get3A_385 = tpu.memref_slice %run_scoped3A[%mul3A_220] : memref<65536xf32, #tpu.memory_space<vmem>> -> memref<32768xf32, #tpu.memory_space<vmem>>
              %get3A_386 = arith.index_cast %add3A_384 : i32 to index
              %get3A_387 = tpu.vector_load %get3A_385[%get3A_386] {strides = array<i32>} : memref<32768xf32, #tpu.memory_space<vmem>>, vector<16xf32>,
              %get3A_388 = vector.shape_cast %get3A_387 : vector<16xf32> to vector<16xf32>
              %add3A_389 = arith.addf %add3A_381, %get3A_388 : vector<16xf32>
              %add3A_390 = arith.constant 1408 : i32
              %add3A_391 = arith.addi %mul3A_295, %add3A_390 : i32
              %add3A_392 = arith.addi %add3A_391, %add3A_305 : i32
              %get3A_393 = tpu.memref_slice %run_scoped3A[%mul3A_220] : memref<65536xf32, #tpu.memory_space<vmem>> -> memref<32768xf32, #tpu.memory_space<vmem>>
              %get3A_394 = arith.index_cast %add3A_392 : i32 to index
              %get3A_395 = tpu.vector_load %get3A_393[%get3A_394] {strides = array<i32>} : memref<32768xf32, #tpu.memory_space<vmem>>, vector<16xf32>,
              %get3A_396 = vector.shape_cast %get3A_395 : vector<16xf32> to vector<16xf32>
              %add3A_397 = arith.addf %add3A_389, %get3A_396 : vector<16xf32>
              %add3A_398 = arith.constant 1536 : i32
              %add3A_399 = arith.addi %mul3A_295, %add3A_398 : i32
              %add3A_400 = arith.addi %add3A_399, %add3A_305 : i32
              %get3A_401 = tpu.memref_slice %run_scoped3A[%mul3A_220] : memref<65536xf32, #tpu.memory_space<vmem>> -> memref<32768xf32, #tpu.memory_space<vmem>>
              %get3A_402 = arith.index_cast %add3A_400 : i32 to index
              %get3A_403 = tpu.vector_load %get3A_401[%get3A_402] {strides = array<i32>} : memref<32768xf32, #tpu.memory_space<vmem>>, vector<16xf32>,
              %get3A_404 = vector.shape_cast %get3A_403 : vector<16xf32> to vector<16xf32>
              %add3A_405 = arith.addf %add3A_397, %get3A_404 : vector<16xf32>
              %add3A_406 = arith.constant 1664 : i32
              %add3A_407 = arith.addi %mul3A_295, %add3A_406 : i32
              %add3A_408 = arith.addi %add3A_407, %add3A_305 : i32
              %get3A_409 = tpu.memref_slice %run_scoped3A[%mul3A_220] : memref<65536xf32, #tpu.memory_space<vmem>> -> memref<32768xf32, #tpu.memory_space<vmem>>
              %get3A_410 = arith.index_cast %add3A_408 : i32 to index
              %get3A_411 = tpu.vector_load %get3A_409[%get3A_410] {strides = array<i32>} : memref<32768xf32, #tpu.memory_space<vmem>>, vector<16xf32>,
              %get3A_412 = vector.shape_cast %get3A_411 : vector<16xf32> to vector<16xf32>
              %add3A_413 = arith.addf %add3A_405, %get3A_412 : vector<16xf32>
              %add3A_414 = arith.constant 1792 : i32
              %add3A_415 = arith.addi %mul3A_295, %add3A_414 : i32
              %add3A_416 = arith.addi %add3A_415, %add3A_305 : i32
              %get3A_417 = tpu.memref_slice %run_scoped3A[%mul3A_220] : memref<65536xf32, #tpu.memory_space<vmem>> -> memref<32768xf32, #tpu.memory_space<vmem>>
              %get3A_418 = arith.index_cast %add3A_416 : i32 to index
              %get3A_419 = tpu.vector_load %get3A_417[%get3A_418] {strides = array<i32>} : memref<32768xf32, #tpu.memory_space<vmem>>, vector<16xf32>,
              %get3A_420 = vector.shape_cast %get3A_419 : vector<16xf32> to vector<16xf32>
              %add3A_421 = arith.addf %add3A_413, %get3A_420 : vector<16xf32>
              %add3A_422 = arith.constant 1920 : i32
              %add3A_423 = arith.addi %mul3A_295, %add3A_422 : i32
              %add3A_424 = arith.addi %add3A_423, %add3A_305 : i32
              %get3A_425 = tpu.memref_slice %run_scoped3A[%mul3A_220] : memref<65536xf32, #tpu.memory_space<vmem>> -> memref<32768xf32, #tpu.memory_space<vmem>>
              %get3A_426 = arith.index_cast %add3A_424 : i32 to index
              %get3A_427 = tpu.vector_load %get3A_425[%get3A_426] {strides = array<i32>} : memref<32768xf32, #tpu.memory_space<vmem>>, vector<16xf32>,
              %get3A_428 = vector.shape_cast %get3A_427 : vector<16xf32> to vector<16xf32>
              %add3A_429 = arith.addf %add3A_421, %get3A_428 : vector<16xf32>
              %add3A_430 = arith.constant 2048 : i32
              %add3A_431 = arith.addi %mul3A_295, %add3A_430 : i32
              %add3A_432 = arith.addi %add3A_431, %add3A_305 : i32
              %get3A_433 = tpu.memref_slice %run_scoped3A[%mul3A_220] : memref<65536xf32, #tpu.memory_space<vmem>> -> memref<32768xf32, #tpu.memory_space<vmem>>
              %get3A_434 = arith.index_cast %add3A_432 : i32 to index
              %get3A_435 = tpu.vector_load %get3A_433[%get3A_434] {strides = array<i32>} : memref<32768xf32, #tpu.memory_space<vmem>>, vector<16xf32>,
              %get3A_436 = vector.shape_cast %get3A_435 : vector<16xf32> to vector<16xf32>
              %add3A_437 = arith.addf %add3A_429, %get3A_436 : vector<16xf32>
              %add3A_438 = arith.constant 2176 : i32
              %add3A_439 = arith.addi %mul3A_295, %add3A_438 : i32
              %add3A_440 = arith.addi %add3A_439, %add3A_305 : i32
              %get3A_441 = tpu.memref_slice %run_scoped3A[%mul3A_220] : memref<65536xf32, #tpu.memory_space<vmem>> -> memref<32768xf32, #tpu.memory_space<vmem>>
              %get3A_442 = arith.index_cast %add3A_440 : i32 to index
              %get3A_443 = tpu.vector_load %get3A_441[%get3A_442] {strides = array<i32>} : memref<32768xf32, #tpu.memory_space<vmem>>, vector<16xf32>,
              %get3A_444 = vector.shape_cast %get3A_443 : vector<16xf32> to vector<16xf32>
              %add3A_445 = arith.addf %add3A_437, %get3A_444 : vector<16xf32>
              %add3A_446 = arith.constant 2304 : i32
              %add3A_447 = arith.addi %mul3A_295, %add3A_446 : i32
              %add3A_448 = arith.addi %add3A_447, %add3A_305 : i32
              %get3A_449 = tpu.memref_slice %run_scoped3A[%mul3A_220] : memref<65536xf32, #tpu.memory_space<vmem>> -> memref<32768xf32, #tpu.memory_space<vmem>>
              %get3A_450 = arith.index_cast %add3A_448 : i32 to index
              %get3A_451 = tpu.vector_load %get3A_449[%get3A_450] {strides = array<i32>} : memref<32768xf32, #tpu.memory_space<vmem>>, vector<16xf32>,
              %get3A_452 = vector.shape_cast %get3A_451 : vector<16xf32> to vector<16xf32>
              %add3A_453 = arith.addf %add3A_445, %get3A_452 : vector<16xf32>
              %add3A_454 = arith.constant 2432 : i32
              %add3A_455 = arith.addi %mul3A_295, %add3A_454 : i32
              %add3A_456 = arith.addi %add3A_455, %add3A_305 : i32
              %get3A_457 = tpu.memref_slice %run_scoped3A[%mul3A_220] : memref<65536xf32, #tpu.memory_space<vmem>> -> memref<32768xf32, #tpu.memory_space<vmem>>
              %get3A_458 = arith.index_cast %add3A_456 : i32 to index
              %get3A_459 = tpu.vector_load %get3A_457[%get3A_458] {strides = array<i32>} : memref<32768xf32, #tpu.memory_space<vmem>>, vector<16xf32>,
              %get3A_460 = vector.shape_cast %get3A_459 : vector<16xf32> to vector<16xf32>
              %add3A_461 = arith.addf %add3A_453, %get3A_460 : vector<16xf32>
              %add3A_462 = arith.constant 2560 : i32
              %add3A_463 = arith.addi %mul3A_295, %add3A_462 : i32
              %add3A_464 = arith.addi %add3A_463, %add3A_305 : i32
              %get3A_465 = tpu.memref_slice %run_scoped3A[%mul3A_220] : memref<65536xf32, #tpu.memory_space<vmem>> -> memref<32768xf32, #tpu.memory_space<vmem>>
              %get3A_466 = arith.index_cast %add3A_464 : i32 to index
              %get3A_467 = tpu.vector_load %get3A_465[%get3A_466] {strides = array<i32>} : memref<32768xf32, #tpu.memory_space<vmem>>, vector<16xf32>,
              %get3A_468 = vector.shape_cast %get3A_467 : vector<16xf32> to vector<16xf32>
              %add3A_469 = arith.addf %add3A_461, %get3A_468 : vector<16xf32>
              %add3A_470 = arith.constant 2688 : i32
              %add3A_471 = arith.addi %mul3A_295, %add3A_470 : i32
              %add3A_472 = arith.addi %add3A_471, %add3A_305 : i32
              %get3A_473 = tpu.memref_slice %run_scoped3A[%mul3A_220] : memref<65536xf32, #tpu.memory_space<vmem>> -> memref<32768xf32, #tpu.memory_space<vmem>>
              %get3A_474 = arith.index_cast %add3A_472 : i32 to index
              %get3A_475 = tpu.vector_load %get3A_473[%get3A_474] {strides = array<i32>} : memref<32768xf32, #tpu.memory_space<vmem>>, vector<16xf32>,
              %get3A_476 = vector.shape_cast %get3A_475 : vector<16xf32> to vector<16xf32>
              %add3A_477 = arith.addf %add3A_469, %get3A_476 : vector<16xf32>
              %add3A_478 = arith.constant 2816 : i32
              %add3A_479 = arith.addi %mul3A_295, %add3A_478 : i32
              %add3A_480 = arith.addi %add3A_479, %add3A_305 : i32
              %get3A_481 = tpu.memref_slice %run_scoped3A[%mul3A_220] : memref<65536xf32, #tpu.memory_space<vmem>> -> memref<32768xf32, #tpu.memory_space<vmem>>
              %get3A_482 = arith.index_cast %add3A_480 : i32 to index
              %get3A_483 = tpu.vector_load %get3A_481[%get3A_482] {strides = array<i32>} : memref<32768xf32, #tpu.memory_space<vmem>>, vector<16xf32>,
              %get3A_484 = vector.shape_cast %get3A_483 : vector<16xf32> to vector<16xf32>
              %add3A_485 = arith.addf %add3A_477, %get3A_484 : vector<16xf32>
              %add3A_486 = arith.constant 2944 : i32
              %add3A_487 = arith.addi %mul3A_295, %add3A_486 : i32
              %add3A_488 = arith.addi %add3A_487, %add3A_305 : i32
              %get3A_489 = tpu.memref_slice %run_scoped3A[%mul3A_220] : memref<65536xf32, #tpu.memory_space<vmem>> -> memref<32768xf32, #tpu.memory_space<vmem>>
              %get3A_490 = arith.index_cast %add3A_488 : i32 to index
              %get3A_491 = tpu.vector_load %get3A_489[%get3A_490] {strides = array<i32>} : memref<32768xf32, #tpu.memory_space<vmem>>, vector<16xf32>,
              %get3A_492 = vector.shape_cast %get3A_491 : vector<16xf32> to vector<16xf32>
              %add3A_493 = arith.addf %add3A_485, %get3A_492 : vector<16xf32>
              %add3A_494 = arith.constant 3072 : i32
              %add3A_495 = arith.addi %mul3A_295, %add3A_494 : i32
              %add3A_496 = arith.addi %add3A_495, %add3A_305 : i32
              %get3A_497 = tpu.memref_slice %run_scoped3A[%mul3A_220] : memref<65536xf32, #tpu.memory_space<vmem>> -> memref<32768xf32, #tpu.memory_space<vmem>>
              %get3A_498 = arith.index_cast %add3A_496 : i32 to index
              %get3A_499 = tpu.vector_load %get3A_497[%get3A_498] {strides = array<i32>} : memref<32768xf32, #tpu.memory_space<vmem>>, vector<16xf32>,
              %get3A_500 = vector.shape_cast %get3A_499 : vector<16xf32> to vector<16xf32>
              %add3A_501 = arith.addf %add3A_493, %get3A_500 : vector<16xf32>
              %add3A_502 = arith.constant 3200 : i32
              %add3A_503 = arith.addi %mul3A_295, %add3A_502 : i32
              %add3A_504 = arith.addi %add3A_503, %add3A_305 : i32
              %get3A_505 = tpu.memref_slice %run_scoped3A[%mul3A_220] : memref<65536xf32, #tpu.memory_space<vmem>> -> memref<32768xf32, #tpu.memory_space<vmem>>
              %get3A_506 = arith.index_cast %add3A_504 : i32 to index
              %get3A_507 = tpu.vector_load %get3A_505[%get3A_506] {strides = array<i32>} : memref<32768xf32, #tpu.memory_space<vmem>>, vector<16xf32>,
              %get3A_508 = vector.shape_cast %get3A_507 : vector<16xf32> to vector<16xf32>
              %add3A_509 = arith.addf %add3A_501, %get3A_508 : vector<16xf32>
              %add3A_510 = arith.constant 3328 : i32
              %add3A_511 = arith.addi %mul3A_295, %add3A_510 : i32
              %add3A_512 = arith.addi %add3A_511, %add3A_305 : i32
              %get3A_513 = tpu.memref_slice %run_scoped3A[%mul3A_220] : memref<65536xf32, #tpu.memory_space<vmem>> -> memref<32768xf32, #tpu.memory_space<vmem>>
              %get3A_514 = arith.index_cast %add3A_512 : i32 to index
              %get3A_515 = tpu.vector_load %get3A_513[%get3A_514] {strides = array<i32>} : memref<32768xf32, #tpu.memory_space<vmem>>, vector<16xf32>,
              %get3A_516 = vector.shape_cast %get3A_515 : vector<16xf32> to vector<16xf32>
              %add3A_517 = arith.addf %add3A_509, %get3A_516 : vector<16xf32>
              %add3A_518 = arith.constant 3456 : i32
              %add3A_519 = arith.addi %mul3A_295, %add3A_518 : i32
              %add3A_520 = arith.addi %add3A_519, %add3A_305 : i32
              %get3A_521 = tpu.memref_slice %run_scoped3A[%mul3A_220] : memref<65536xf32, #tpu.memory_space<vmem>> -> memref<32768xf32, #tpu.memory_space<vmem>>
              %get3A_522 = arith.index_cast %add3A_520 : i32 to index
              %get3A_523 = tpu.vector_load %get3A_521[%get3A_522] {strides = array<i32>} : memref<32768xf32, #tpu.memory_space<vmem>>, vector<16xf32>,
              %get3A_524 = vector.shape_cast %get3A_523 : vector<16xf32> to vector<16xf32>
              %add3A_525 = arith.addf %add3A_517, %get3A_524 : vector<16xf32>
              %add3A_526 = arith.constant 3584 : i32
              %add3A_527 = arith.addi %mul3A_295, %add3A_526 : i32
              %add3A_528 = arith.addi %add3A_527, %add3A_305 : i32
              %get3A_529 = tpu.memref_slice %run_scoped3A[%mul3A_220] : memref<65536xf32, #tpu.memory_space<vmem>> -> memref<32768xf32, #tpu.memory_space<vmem>>
              %get3A_530 = arith.index_cast %add3A_528 : i32 to index
              %get3A_531 = tpu.vector_load %get3A_529[%get3A_530] {strides = array<i32>} : memref<32768xf32, #tpu.memory_space<vmem>>, vector<16xf32>,
              %get3A_532 = vector.shape_cast %get3A_531 : vector<16xf32> to vector<16xf32>
              %add3A_533 = arith.addf %add3A_525, %get3A_532 : vector<16xf32>
              %add3A_534 = arith.constant 3712 : i32
              %add3A_535 = arith.addi %mul3A_295, %add3A_534 : i32
              %add3A_536 = arith.addi %add3A_535, %add3A_305 : i32
              %get3A_537 = tpu.memref_slice %run_scoped3A[%mul3A_220] : memref<65536xf32, #tpu.memory_space<vmem>> -> memref<32768xf32, #tpu.memory_space<vmem>>
              %get3A_538 = arith.index_cast %add3A_536 : i32 to index
              %get3A_539 = tpu.vector_load %get3A_537[%get3A_538] {strides = array<i32>} : memref<32768xf32, #tpu.memory_space<vmem>>, vector<16xf32>,
              %get3A_540 = vector.shape_cast %get3A_539 : vector<16xf32> to vector<16xf32>
              %add3A_541 = arith.addf %add3A_533, %get3A_540 : vector<16xf32>
              %add3A_542 = arith.constant 3840 : i32
              %add3A_543 = arith.addi %mul3A_295, %add3A_542 : i32
              %add3A_544 = arith.addi %add3A_543, %add3A_305 : i32
              %get3A_545 = tpu.memref_slice %run_scoped3A[%mul3A_220] : memref<65536xf32, #tpu.memory_space<vmem>> -> memref<32768xf32, #tpu.memory_space<vmem>>
              %get3A_546 = arith.index_cast %add3A_544 : i32 to index
              %get3A_547 = tpu.vector_load %get3A_545[%get3A_546] {strides = array<i32>} : memref<32768xf32, #tpu.memory_space<vmem>>, vector<16xf32>,
              %get3A_548 = vector.shape_cast %get3A_547 : vector<16xf32> to vector<16xf32>
              %add3A_549 = arith.addf %add3A_541, %get3A_548 : vector<16xf32>
              %add3A_550 = arith.constant 3968 : i32
              %add3A_551 = arith.addi %mul3A_295, %add3A_550 : i32
              %add3A_552 = arith.addi %add3A_551, %add3A_305 : i32
              %get3A_553 = tpu.memref_slice %run_scoped3A[%mul3A_220] : memref<65536xf32, #tpu.memory_space<vmem>> -> memref<32768xf32, #tpu.memory_space<vmem>>
              %get3A_554 = arith.index_cast %add3A_552 : i32 to index
              %get3A_555 = tpu.vector_load %get3A_553[%get3A_554] {strides = array<i32>} : memref<32768xf32, #tpu.memory_space<vmem>>, vector<16xf32>,
              %get3A_556 = vector.shape_cast %get3A_555 : vector<16xf32> to vector<16xf32>
              %add3A_557 = arith.addf %add3A_549, %get3A_556 : vector<16xf32>
              %mul3A_558 = arith.constant 128 : i32
              %mul3A_559 = arith.muli %add3A_293, %mul3A_558 : i32
              %add3A_560 = arith.addi %mul3A_559, %add3A_305 : i32
              %swap3A = tpu.memref_slice %run_scoped3A_18[%mul3A_224] : memref<2048xf32, #tpu.memory_space<vmem>> -> memref<1024xf32, #tpu.memory_space<vmem>>
              %swap3A_561 = arith.index_cast %add3A_560 : i32 to index
              %swap3A_562 = tpu.vector_load %swap3A[%swap3A_561] {strides = array<i32>} : memref<1024xf32, #tpu.memory_space<vmem>>, vector<16xf32>,
              %swap3A_563 = vector.shape_cast %swap3A_562 : vector<16xf32> to vector<16xf32>
              %swap3A_564 = vector.shape_cast %add3A_557 : vector<16xf32> to vector<16xf32>
              tpu.vector_store %swap3A[%swap3A_561], %swap3A_564 {strides = array<i32>} : memref<1024xf32, #tpu.memory_space<vmem>>, vector<16xf32>,
            }
            %scan3A_300 = arith.constant 8 : i32
          }
          %scan3A_228 = arith.constant 8 : i32
          "tpu.trace_stop"() : () -> ()
          %ne3A_229 = arith.cmpi ne, %add3A_151, %add3A_169 : i32
          %or3A_230 = arith.constant false
          %or3A_231 = arith.ori %or3A_230, %ne3A_229 : i1
          %or3A_232 = arith.ori %or3A_231, %eq3A_150 : i1
          %convert_element_type3A_233 = arith.extui %or3A_232 : i1 to i32
          %cond3A_234 = arith.constant 0 : i32
          %cond3A_235 = arith.cmpi ne, %convert_element_type3A_233, %cond3A_234 : i32
          scf.if %cond3A_235 {
          } else {
          }
          %and3A_236 = arith.constant false
          %and3A_237 = arith.andi %or3A_232, %and3A_236 : i1
          %ne3A_238 = arith.cmpi ne, %add3A_151, %add3A_169 : i32
          %or3A_239 = arith.constant false
          %or3A_240 = arith.ori %or3A_239, %ne3A_238 : i1
          %or3A_241 = arith.ori %or3A_240, %eq3A_150 : i1
          %convert_element_type3A_242 = arith.extui %or3A_241 : i1 to i32
          %cond3A_243 = arith.constant 0 : i32
          %cond3A_244 = arith.cmpi ne, %convert_element_type3A_242, %cond3A_243 : i32
          scf.if %cond3A_244 {
            "tpu.trace_start"() <{level = 10 : i32, message = "ep_copy_out"}> : () -> ()
            %rem3A_289 = arith.constant 2 : i32
            %rem3A_290 = arith.remui %while3A_141, %rem3A_289 : i32
            %mul3A_291 = arith.constant 1024 : i32
            %mul3A_292 = arith.muli %mul3A_291, %add3A_151 : i32
            %mul3A_293 = arith.constant 1024 : i32
            %mul3A_294 = arith.muli %rem3A_290, %mul3A_293 : i32
            %add3A_295 = arith.constant 0 : i32
            %add3A_296 = arith.addi %mul3A_294, %add3A_295 : i32
            %dma_start3A_297 = tpu.memref_slice %run_scoped3A_18[%add3A_296] : memref<2048xf32, #tpu.memory_space<vmem>> -> memref<1024xf32, #tpu.memory_space<vmem>>
            %dma_start3A_298 = tpu.memref_slice %arg3[%mul3A_292] : memref<307200xf32, #tpu.memory_space<hbm>> -> memref<1024xf32, #tpu.memory_space<hbm>>
            %dma_start3A_299 = tpu.memref_slice %run_scoped3A_19[%rem3A_290] : memref<2x!tpu.dma_semaphore, #tpu.memory_space<semaphore_mem>> -> memref<1x!tpu.dma_semaphore, #tpu.memory_space<semaphore_mem>>
            %dma_start3A_300 = tpu.memref_squeeze %dma_start3A_299 : memref<1x!tpu.dma_semaphore, #tpu.memory_space<semaphore_mem>> -> memref<!tpu.dma_semaphore, #tpu.memory_space<semaphore_mem>>
            %dma_start3A_301 = tpu.memref_slice %arg3[%mul3A_292] : memref<307200xf32, #tpu.memory_space<hbm>> -> memref<1024xf32, #tpu.memory_space<hbm>>
            %dma_start3A_302 = tpu.memref_slice %run_scoped3A_18[%add3A_296] : memref<2048xf32, #tpu.memory_space<vmem>> -> memref<1024xf32, #tpu.memory_space<vmem>>
            tpu.enqueue_dma source(%dma_start3A_302 : memref<1024xf32, #tpu.memory_space<vmem>>) target(%dma_start3A_301 : memref<1024xf32, #tpu.memory_space<hbm>>) target_semaphore(%dma_start3A_300 : memref<!tpu.dma_semaphore, #tpu.memory_space<semaphore_mem>>)
            "tpu.trace_stop"() : () -> ()
          } else {
          }
          %and3A_245 = arith.constant true
          %and3A_246 = arith.andi %or3A_241, %and3A_245 : i1
          %add3A_247 = arith.constant 1 : i32
          %add3A_248 = arith.addi %while3A_141, %add3A_247 : i32
          %select_n3A_249 = arith.select %and3A_246, %add3A_248, %while3A_141 : i32
          %ne3A_250 = arith.cmpi ne, %add3A_151, %add3A_161 : i32
          %or3A_251 = arith.constant false
          %or3A_252 = arith.ori %or3A_251, %ne3A_250 : i1
          %not3A_253 = arith.constant true
          %not3A_254 = arith.xori %eq3A_147, %not3A_253 : i1
          %and3A_255 = arith.andi %or3A_252, %not3A_254 : i1
          %convert_element_type3A_256 = arith.extui %and3A_255 : i1 to i32
          %cond3A_257 = arith.constant 0 : i32
          %cond3A_258 = arith.cmpi ne, %convert_element_type3A_256, %cond3A_257 : i32
          scf.if %cond3A_258 {
          } else {
          }
          %and3A_259 = arith.constant false
          %and3A_260 = arith.andi %and3A_255, %and3A_259 : i1
          %ne3A_261 = arith.cmpi ne, %add3A_151, %add3A_161 : i32
          %or3A_262 = arith.constant false
          %or3A_263 = arith.ori %or3A_262, %ne3A_261 : i1
          %not3A_264 = arith.constant true
          %not3A_265 = arith.xori %eq3A_147, %not3A_264 : i1
          %and3A_266 = arith.andi %or3A_263, %not3A_265 : i1
          %convert_element_type3A_267 = arith.extui %and3A_266 : i1 to i32
          %cond3A_268 = arith.constant 0 : i32
          %cond3A_269 = arith.cmpi ne, %convert_element_type3A_267, %cond3A_268 : i32
          scf.if %cond3A_269 {
            "tpu.trace_start"() <{level = 10 : i32, message = "ep_wait_out"}> : () -> ()
            %rem3A_289 = arith.constant 2 : i32
            %rem3A_290 = arith.remui %while3A_142, %rem3A_289 : i32
            %mul3A_291 = arith.constant 1024 : i32
            %mul3A_292 = arith.muli %mul3A_291, %add3A_161 : i32
            %mul3A_293 = arith.constant 1024 : i32
            %mul3A_294 = arith.muli %rem3A_290, %mul3A_293 : i32
            %add3A_295 = arith.constant 0 : i32
            %add3A_296 = arith.addi %mul3A_294, %add3A_295 : i32
            %dma_wait3A = tpu.memref_slice %run_scoped3A_18[%add3A_296] : memref<2048xf32, #tpu.memory_space<vmem>> -> memref<1024xf32, #tpu.memory_space<vmem>>
            %dma_wait3A_297 = tpu.memref_slice %arg3[%mul3A_292] : memref<307200xf32, #tpu.memory_space<hbm>> -> memref<1024xf32, #tpu.memory_space<hbm>>
            %dma_wait3A_298 = tpu.memref_slice %run_scoped3A_19[%rem3A_290] : memref<2x!tpu.dma_semaphore, #tpu.memory_space<semaphore_mem>> -> memref<1x!tpu.dma_semaphore, #tpu.memory_space<semaphore_mem>>
            %dma_wait3A_299 = tpu.memref_squeeze %dma_wait3A_298 : memref<1x!tpu.dma_semaphore, #tpu.memory_space<semaphore_mem>> -> memref<!tpu.dma_semaphore, #tpu.memory_space<semaphore_mem>>
            %dma_wait3A_300 = tpu.memref_slice %arg3[%mul3A_292] : memref<307200xf32, #tpu.memory_space<hbm>> -> memref<1024xf32, #tpu.memory_space<hbm>>
            %dma_wait3A_301 = tpu.memref_slice %run_scoped3A_18[%add3A_296] : memref<2048xf32, #tpu.memory_space<vmem>> -> memref<1024xf32, #tpu.memory_space<vmem>>
            tpu.wait_dma2 semaphore(%dma_wait3A_299 : memref<!tpu.dma_semaphore, #tpu.memory_space<semaphore_mem>>) src(%dma_wait3A_301 : memref<1024xf32, #tpu.memory_space<vmem>>) dst(%dma_wait3A_300 : memref<1024xf32, #tpu.memory_space<hbm>>)
            "tpu.trace_stop"() : () -> ()
          } else {
          }
          %and3A_270 = arith.constant true
          %and3A_271 = arith.andi %and3A_266, %and3A_270 : i1
          %add3A_272 = arith.constant 1 : i32
          %add3A_273 = arith.addi %while3A_142, %add3A_272 : i32
          %select_n3A_274 = arith.select %and3A_271, %add3A_273, %while3A_142 : i32
          %ne3A_275 = arith.cmpi ne, %add3A_151, %add3A_169 : i32
          %or3A_276 = arith.constant false
          %or3A_277 = arith.ori %or3A_276, %ne3A_275 : i1
          %or3A_278 = arith.ori %or3A_277, %eq3A_150 : i1
          %add3A_279 = arith.constant 1 : i32
          %add3A_280 = arith.addi %while3A_140, %add3A_279 : i32
          %select_n3A_281 = arith.select %or3A_278, %add3A_280, %while3A_140 : i32
          %add3A_282 = arith.constant 1 : i32
          %add3A_283 = arith.addi %while3A_143, %add3A_282 : i32
          %select_n3A_284 = arith.constant true
          %select_n3A_285 = arith.select %select_n3A_284, %add3A_283, %while3A_143 : i32
          %eq3A_286 = arith.cmpi eq, %select_n3A_285, %select_n3A : i32
          %select_n3A_287 = arith.constant 0 : i32
          %select_n3A_288 = arith.select %eq3A_286, %select_n3A_287, %select_n3A_285 : i32
          scf.yield %select_n3A_191, %select_n3A_281, %select_n3A_249, %select_n3A_274, %select_n3A_288 : i32, i32, i32, i32, i32
        }
        %sub3A_87 = arith.constant 1 : i32
        %sub3A_88 = arith.subi %while3A_86#4, %sub3A_87 : i32
        %select_n3A_89 = arith.constant true
        %select_n3A_90 = arith.select %select_n3A_89, %sub3A_88, %while3A_86#4 : i32
        %eq3A_91 = arith.constant -1 : i32
        %eq3A_92 = arith.cmpi eq, %select_n3A_90, %eq3A_91 : i32
        %sub3A_93 = arith.constant 1 : i32
        %sub3A_94 = arith.subi %select_n3A, %sub3A_93 : i32
        %select_n3A_95 = arith.select %eq3A_92, %sub3A_94, %select_n3A_90 : i32
        %sub3A_96 = arith.constant 1 : i32
        %sub3A_97 = arith.subi %mul3A_16, %sub3A_96 : i32
        %mul3A_98 = arith.constant 1 : i32
        %mul3A_99 = arith.muli %mul3A_98, %select_n3A : i32
        %eq3A_100 = arith.constant 0 : i32
        %eq3A_101 = arith.cmpi eq, %sub3A_97, %eq3A_100 : i32
        %sub3A_102 = arith.constant 1 : i32
        %sub3A_103 = arith.subi %mul3A_99, %sub3A_102 : i32
        %eq3A_104 = arith.cmpi eq, %sub3A_97, %sub3A_103 : i32
        %add3A_105 = arith.addi %select_n3A_95, %select_n3A_14 : i32
        %sub3A_106 = arith.constant 1 : i32
        %sub3A_107 = arith.subi %select_n3A_95, %sub3A_106 : i32
        %select_n3A_108 = arith.constant true
        %select_n3A_109 = arith.select %select_n3A_108, %sub3A_107, %select_n3A_95 : i32
        %eq3A_110 = arith.constant -1 : i32
        %eq3A_111 = arith.cmpi eq, %select_n3A_109, %eq3A_110 : i32
        %sub3A_112 = arith.constant 1 : i32
        %sub3A_113 = arith.subi %select_n3A, %sub3A_112 : i32
        %select_n3A_114 = arith.select %eq3A_111, %sub3A_113, %select_n3A_109 : i32
        %add3A_115 = arith.addi %select_n3A_114, %select_n3A_14 : i32
        %add3A_116 = arith.constant 1 : i32
        %add3A_117 = arith.addi %select_n3A_95, %add3A_116 : i32
        %select_n3A_118 = arith.constant true
        %select_n3A_119 = arith.select %select_n3A_118, %add3A_117, %select_n3A_95 : i32
        %eq3A_120 = arith.cmpi eq, %select_n3A_119, %select_n3A : i32
        %select_n3A_121 = arith.constant 0 : i32
        %select_n3A_122 = arith.select %eq3A_120, %select_n3A_121, %select_n3A_119 : i32
        %add3A_123 = arith.addi %select_n3A_122, %select_n3A_14 : i32
        %add3A_124 = arith.constant 1 : i32
        %add3A_125 = arith.addi %select_n3A_122, %add3A_124 : i32
        %select_n3A_126 = arith.constant true
        %select_n3A_127 = arith.select %select_n3A_126, %add3A_125, %select_n3A_122 : i32
        %eq3A_128 = arith.cmpi eq, %select_n3A_127, %select_n3A : i32
        %select_n3A_129 = arith.constant 0 : i32
        %select_n3A_130 = arith.select %eq3A_128, %select_n3A_129, %select_n3A_127 : i32
        %add3A_131 = arith.addi %select_n3A_130, %select_n3A_14 : i32
        %convert_element_type3A_132 = arith.extui %eq3A_104 : i1 to i32
        %cond3A_133 = arith.constant 0 : i32
        %cond3A_134 = arith.cmpi ne, %convert_element_type3A_132, %cond3A_133 : i32
        scf.if %cond3A_134 {
        } else {
        }
        %convert_element_type3A_135 = arith.extui %eq3A_104 : i1 to i32
        %cond3A_136 = arith.constant 0 : i32
        %cond3A_137 = arith.cmpi ne, %convert_element_type3A_135, %cond3A_136 : i32
        scf.if %cond3A_137 {
          "tpu.trace_start"() <{level = 10 : i32, message = "ep_finalize"}> : () -> ()
          %rem3A_138 = arith.constant 2 : i32
          %rem3A_139 = arith.remui %while3A_86#3, %rem3A_138 : i32
          %mul3A_140 = arith.constant 1024 : i32
          %mul3A_141 = arith.muli %mul3A_140, %add3A_105 : i32
          %mul3A_142 = arith.constant 1024 : i32
          %mul3A_143 = arith.muli %rem3A_139, %mul3A_142 : i32
          %add3A_144 = arith.constant 0 : i32
          %add3A_145 = arith.addi %mul3A_143, %add3A_144 : i32
          %dma_wait3A = tpu.memref_slice %run_scoped3A_18[%add3A_145] : memref<2048xf32, #tpu.memory_space<vmem>> -> memref<1024xf32, #tpu.memory_space<vmem>>
          %dma_wait3A_146 = tpu.memref_slice %arg3[%mul3A_141] : memref<307200xf32, #tpu.memory_space<hbm>> -> memref<1024xf32, #tpu.memory_space<hbm>>
          %dma_wait3A_147 = tpu.memref_slice %run_scoped3A_19[%rem3A_139] : memref<2x!tpu.dma_semaphore, #tpu.memory_space<semaphore_mem>> -> memref<1x!tpu.dma_semaphore, #tpu.memory_space<semaphore_mem>>
          %dma_wait3A_148 = tpu.memref_squeeze %dma_wait3A_147 : memref<1x!tpu.dma_semaphore, #tpu.memory_space<semaphore_mem>> -> memref<!tpu.dma_semaphore, #tpu.memory_space<semaphore_mem>>
          %dma_wait3A_149 = tpu.memref_slice %arg3[%mul3A_141] : memref<307200xf32, #tpu.memory_space<hbm>> -> memref<1024xf32, #tpu.memory_space<hbm>>
          %dma_wait3A_150 = tpu.memref_slice %run_scoped3A_18[%add3A_145] : memref<2048xf32, #tpu.memory_space<vmem>> -> memref<1024xf32, #tpu.memory_space<vmem>>
          tpu.wait_dma2 semaphore(%dma_wait3A_148 : memref<!tpu.dma_semaphore, #tpu.memory_space<semaphore_mem>>) src(%dma_wait3A_150 : memref<1024xf32, #tpu.memory_space<vmem>>) dst(%dma_wait3A_149 : memref<1024xf32, #tpu.memory_space<hbm>>)
          "tpu.trace_stop"() : () -> ()
        } else {
        }
      } else {
      }
      tpu.yield
    }) : () -> ()
    return
  }
}

module attributes {stable_mosaic.version = 14 : i64} {
  func.func @_fused_body(%arg0: i32, %arg1: memref<400x32x128xf32, #tpu.memory_space<vmem>>, %arg2: memref<400x128xf32, #tpu.memory_space<vmem>>, %arg3: memref<400x128xf32, #tpu.memory_space<vmem>>, %arg4: memref<128x256xf32, #tpu.memory_space<vmem>>, %arg5: memref<128x256xf32, #tpu.memory_space<vmem>>, %arg6: memref<128x256xf32, #tpu.memory_space<vmem>>, %arg7: memref<1x256xf32, #tpu.memory_space<vmem>>, %arg8: memref<256x256xf32, #tpu.memory_space<vmem>>, %arg9: memref<1x256xf32, #tpu.memory_space<vmem>>, %arg10: memref<256x128xf32, #tpu.memory_space<vmem>>, %arg11: memref<1x128xf32, #tpu.memory_space<vmem>>, %arg12: memref<400x128xf32, #tpu.memory_space<vmem>>) attributes {dimension_semantics = [#tpu.dimension_semantics<parallel>], iteration_bounds = array<i64: 19>, scalar_prefetch = 0 : i64, scratch_operands = 0 : i64, tpu.core_type = #tpu.core_type<tc>, window_params = [{transform_indices = @transform_0, window_bounds = array<i64: 400, 32, 128>}, {transform_indices = @transform_1, window_bounds = array<i64: 400, 128>}, {transform_indices = @transform_2, window_bounds = array<i64: 400, 128>}, {pipeline_mode = #tpu.pipeline_mode<synchronous>, transform_indices = @transform_3, window_bounds = array<i64: 128, 256>}, {pipeline_mode = #tpu.pipeline_mode<synchronous>, transform_indices = @transform_4, window_bounds = array<i64: 128, 256>}, {pipeline_mode = #tpu.pipeline_mode<synchronous>, transform_indices = @transform_5, window_bounds = array<i64: 128, 256>}, {pipeline_mode = #tpu.pipeline_mode<synchronous>, transform_indices = @transform_6, window_bounds = array<i64: 1, 256>}, {pipeline_mode = #tpu.pipeline_mode<synchronous>, transform_indices = @transform_7, window_bounds = array<i64: 256, 256>}, {pipeline_mode = #tpu.pipeline_mode<synchronous>, transform_indices = @transform_8, window_bounds = array<i64: 1, 256>}, {pipeline_mode = #tpu.pipeline_mode<synchronous>, transform_indices = @transform_9, window_bounds = array<i64: 256, 128>}, {pipeline_mode = #tpu.pipeline_mode<synchronous>, transform_indices = @transform_10, window_bounds = array<i64: 1, 128>}, {transform_indices = @transform_11, window_bounds = array<i64: 400, 128>}]} {
    %get3A = arith.constant 0 : index
    %get3A_0 = arith.constant 0 : index
    %get3A_1 = arith.constant 0 : index
    %get3A_2 = vector.load %arg1[%get3A, %get3A_0, %get3A_1] : memref<400x32x128xf32, #tpu.memory_space<vmem>>, vector<400x32x128xf32>
    %reduce_sum3A = arith.constant dense<0.000000e+00> : vector<400x128xf32>
    %reduce_sum3A_3 = vector.multi_reduction <add>, %get3A_2, %reduce_sum3A [1] : vector<400x32x128xf32> to vector<400x128xf32>
    %get3A_4 = arith.constant 0 : index
    %get3A_5 = arith.constant 0 : index
    %get3A_6 = vector.load %arg4[%get3A_4, %get3A_5] : memref<128x256xf32, #tpu.memory_space<vmem>>, vector<128x256xf32>
    %dot_general3A = arith.constant dense<0.000000e+00> : vector<400x256xf32>
    %dot_general3A_7 = tpu.matmul %reduce_sum3A_3, %get3A_6, %dot_general3A {dimension_numbers = #tpu.dot_dimension_numbers<[1], [0], [0], [1], [0, 0, 1, 1], [], []>, transpose_lhs_hint = false} : vector<400x128xf32>, vector<128x256xf32>, vector<400x256xf32> -> vector<400x256xf32>
    %get3A_8 = arith.constant 0 : index
    %get3A_9 = arith.constant 0 : index
    %get3A_10 = vector.load %arg2[%get3A_8, %get3A_9] : memref<400x128xf32, #tpu.memory_space<vmem>>, vector<400x128xf32>
    %get3A_11 = arith.constant 0 : index
    %get3A_12 = arith.constant 0 : index
    %get3A_13 = vector.load %arg5[%get3A_11, %get3A_12] : memref<128x256xf32, #tpu.memory_space<vmem>>, vector<128x256xf32>
    %dot_general3A_14 = arith.constant dense<0.000000e+00> : vector<400x256xf32>
    %dot_general3A_15 = tpu.matmul %get3A_10, %get3A_13, %dot_general3A_14 {dimension_numbers = #tpu.dot_dimension_numbers<[1], [0], [0], [1], [0, 0, 1, 1], [], []>, transpose_lhs_hint = false} : vector<400x128xf32>, vector<128x256xf32>, vector<400x256xf32> -> vector<400x256xf32>
    %add3A = arith.addf %dot_general3A_7, %dot_general3A_15 : vector<400x256xf32>
    %get3A_16 = arith.constant 0 : index
    %get3A_17 = arith.constant 0 : index
    %get3A_18 = vector.load %arg3[%get3A_16, %get3A_17] : memref<400x128xf32, #tpu.memory_space<vmem>>, vector<400x128xf32>
    %get3A_19 = arith.constant 0 : index
    %get3A_20 = arith.constant 0 : index
    %get3A_21 = vector.load %arg6[%get3A_19, %get3A_20] : memref<128x256xf32, #tpu.memory_space<vmem>>, vector<128x256xf32>
    %dot_general3A_22 = arith.constant dense<0.000000e+00> : vector<400x256xf32>
    %dot_general3A_23 = tpu.matmul %get3A_18, %get3A_21, %dot_general3A_22 {dimension_numbers = #tpu.dot_dimension_numbers<[1], [0], [0], [1], [0, 0, 1, 1], [], []>, transpose_lhs_hint = false} : vector<400x128xf32>, vector<128x256xf32>, vector<400x256xf32> -> vector<400x256xf32>
    %add3A_24 = arith.addf %add3A, %dot_general3A_23 : vector<400x256xf32>
    %get3A_25 = arith.constant 0 : index
    %get3A_26 = arith.constant 0 : index
    %get3A_27 = vector.load %arg7[%get3A_25, %get3A_26] : memref<1x256xf32, #tpu.memory_space<vmem>>, vector<1x256xf32>
    %add3A_28 = vector.broadcast %get3A_27 : vector<1x256xf32> to vector<400x256xf32>
    %add3A_29 = arith.addf %add3A_24, %add3A_28 : vector<400x256xf32>
    %max3A = arith.constant 0.000000e+00 : f32
    %max3A_30 = vector.broadcast %max3A : f32 to vector<400x256xf32>
    %max3A_31 = arith.maximumf %add3A_29, %max3A_30 : vector<400x256xf32>
    %get3A_32 = arith.constant 0 : index
    %get3A_33 = arith.constant 0 : index
    %get3A_34 = vector.load %arg8[%get3A_32, %get3A_33] : memref<256x256xf32, #tpu.memory_space<vmem>>, vector<256x256xf32>
    %dot_general3A_35 = arith.constant dense<0.000000e+00> : vector<400x256xf32>
    %dot_general3A_36 = tpu.matmul %max3A_31, %get3A_34, %dot_general3A_35 {dimension_numbers = #tpu.dot_dimension_numbers<[1], [0], [0], [1], [0, 0, 1, 1], [], []>, transpose_lhs_hint = false} : vector<400x256xf32>, vector<256x256xf32>, vector<400x256xf32> -> vector<400x256xf32>
    %get3A_37 = arith.constant 0 : index
    %get3A_38 = arith.constant 0 : index
    %get3A_39 = vector.load %arg9[%get3A_37, %get3A_38] : memref<1x256xf32, #tpu.memory_space<vmem>>, vector<1x256xf32>
    %add3A_40 = vector.broadcast %get3A_39 : vector<1x256xf32> to vector<400x256xf32>
    %add3A_41 = arith.addf %dot_general3A_36, %add3A_40 : vector<400x256xf32>
    %max3A_42 = arith.constant 0.000000e+00 : f32
    %max3A_43 = vector.broadcast %max3A_42 : f32 to vector<400x256xf32>
    %max3A_44 = arith.maximumf %add3A_41, %max3A_43 : vector<400x256xf32>
    %get3A_45 = arith.constant 0 : index
    %get3A_46 = arith.constant 0 : index
    %get3A_47 = vector.load %arg10[%get3A_45, %get3A_46] : memref<256x128xf32, #tpu.memory_space<vmem>>, vector<256x128xf32>
    %dot_general3A_48 = arith.constant dense<0.000000e+00> : vector<400x128xf32>
    %dot_general3A_49 = tpu.matmul %max3A_44, %get3A_47, %dot_general3A_48 {dimension_numbers = #tpu.dot_dimension_numbers<[1], [0], [0], [1], [0, 0, 1, 1], [], []>, transpose_lhs_hint = false} : vector<400x256xf32>, vector<256x128xf32>, vector<400x128xf32> -> vector<400x128xf32>
    %get3A_50 = arith.constant 0 : index
    %get3A_51 = arith.constant 0 : index
    %get3A_52 = vector.load %arg11[%get3A_50, %get3A_51] : memref<1x128xf32, #tpu.memory_space<vmem>>, vector<1x128xf32>
    %add3A_53 = vector.broadcast %get3A_52 : vector<1x128xf32> to vector<400x128xf32>
    %add3A_54 = arith.addf %dot_general3A_49, %add3A_53 : vector<400x128xf32>
    %swap3A = arith.constant 0 : index
    %swap3A_55 = arith.constant 0 : index
    %swap3A_56 = vector.load %arg12[%swap3A, %swap3A_55] : memref<400x128xf32, #tpu.memory_space<vmem>>, vector<400x128xf32>
    tpu.vector_store %arg12[%swap3A, %swap3A_55], %add3A_54 {strides = array<i32>} : memref<400x128xf32, #tpu.memory_space<vmem>>, vector<400x128xf32>,
    return
  }
  func.func @transform_0(%arg0: i32) -> (i32, i32, i32) {
    %add3A = arith.constant 6 : i32
    %add3A_0 = arith.addi %arg0, %add3A : i32
    %c0_i32 = arith.constant 0 : i32
    %c0_i32_1 = arith.constant 0 : i32
    %c0_i32_2 = arith.constant 0 : i32
    return %add3A_0, %c0_i32, %c0_i32_1 : i32, i32, i32
  }
  func.func @transform_1(%arg0: i32) -> (i32, i32) {
    %add3A = arith.constant 6 : i32
    %add3A_0 = arith.addi %arg0, %add3A : i32
    %c0_i32 = arith.constant 0 : i32
    %c0_i32_1 = arith.constant 0 : i32
    return %add3A_0, %c0_i32 : i32, i32
  }
  func.func @transform_2(%arg0: i32) -> (i32, i32) {
    %add3A = arith.constant 6 : i32
    %add3A_0 = arith.addi %arg0, %add3A : i32
    %c0_i32 = arith.constant 0 : i32
    %c0_i32_1 = arith.constant 0 : i32
    return %add3A_0, %c0_i32 : i32, i32
  }
  func.func @transform_3(%arg0: i32) -> (i32, i32) {
    %c0_i32 = arith.constant 0 : i32
    %c0_i32_0 = arith.constant 0 : i32
    %c0_i32_1 = arith.constant 0 : i32
    return %c0_i32, %c0_i32_0 : i32, i32
  }
  func.func @transform_4(%arg0: i32) -> (i32, i32) {
    %c0_i32 = arith.constant 0 : i32
    %c0_i32_0 = arith.constant 0 : i32
    %c0_i32_1 = arith.constant 0 : i32
    return %c0_i32, %c0_i32_0 : i32, i32
  }
  func.func @transform_5(%arg0: i32) -> (i32, i32) {
    %c0_i32 = arith.constant 0 : i32
    %c0_i32_0 = arith.constant 0 : i32
    %c0_i32_1 = arith.constant 0 : i32
    return %c0_i32, %c0_i32_0 : i32, i32
  }
  func.func @transform_6(%arg0: i32) -> (i32, i32) {
    %c0_i32 = arith.constant 0 : i32
    %c0_i32_0 = arith.constant 0 : i32
    %c0_i32_1 = arith.constant 0 : i32
    return %c0_i32, %c0_i32_0 : i32, i32
  }
  func.func @transform_7(%arg0: i32) -> (i32, i32) {
    %c0_i32 = arith.constant 0 : i32
    %c0_i32_0 = arith.constant 0 : i32
    %c0_i32_1 = arith.constant 0 : i32
    return %c0_i32, %c0_i32_0 : i32, i32
  }
  func.func @transform_8(%arg0: i32) -> (i32, i32) {
    %c0_i32 = arith.constant 0 : i32
    %c0_i32_0 = arith.constant 0 : i32
    %c0_i32_1 = arith.constant 0 : i32
    return %c0_i32, %c0_i32_0 : i32, i32
  }
  func.func @transform_9(%arg0: i32) -> (i32, i32) {
    %c0_i32 = arith.constant 0 : i32
    %c0_i32_0 = arith.constant 0 : i32
    %c0_i32_1 = arith.constant 0 : i32
    return %c0_i32, %c0_i32_0 : i32, i32
  }
  func.func @transform_10(%arg0: i32) -> (i32, i32) {
    %c0_i32 = arith.constant 0 : i32
    %c0_i32_0 = arith.constant 0 : i32
    %c0_i32_1 = arith.constant 0 : i32
    return %c0_i32, %c0_i32_0 : i32, i32
  }
  func.func @transform_11(%arg0: i32) -> (i32, i32) {
    %c0_i32 = arith.constant 0 : i32
    %c0_i32_0 = arith.constant 0 : i32
    return %arg0, %c0_i32 : i32, i32
  }
}

module attributes {stable_mosaic.version = 14 : i64} {
  func.func @_msum_body(%arg0: i32, %arg1: memref<400x128xf32, #tpu.memory_space<vmem>>, %arg2: memref<400x128xf32, #tpu.memory_space<vmem>>, %arg3: memref<400x128xf32, #tpu.memory_space<vmem>>, %arg4: memref<128x256xf32, #tpu.memory_space<vmem>>, %arg5: memref<128x256xf32, #tpu.memory_space<vmem>>, %arg6: memref<128x256xf32, #tpu.memory_space<vmem>>, %arg7: memref<1x256xf32, #tpu.memory_space<vmem>>, %arg8: memref<256x256xf32, #tpu.memory_space<vmem>>, %arg9: memref<1x256xf32, #tpu.memory_space<vmem>>, %arg10: memref<256x128xf32, #tpu.memory_space<vmem>>, %arg11: memref<1x128xf32, #tpu.memory_space<vmem>>, %arg12: memref<400x128xf32, #tpu.memory_space<vmem>>) attributes {dimension_semantics = [#tpu.dimension_semantics<parallel>], iteration_bounds = array<i64: 6>, scalar_prefetch = 0 : i64, scratch_operands = 0 : i64, tpu.core_type = #tpu.core_type<tc>, window_params = [{transform_indices = @transform_0, window_bounds = array<i64: 400, 128>}, {transform_indices = @transform_1, window_bounds = array<i64: 400, 128>}, {transform_indices = @transform_2, window_bounds = array<i64: 400, 128>}, {pipeline_mode = #tpu.pipeline_mode<synchronous>, transform_indices = @transform_3, window_bounds = array<i64: 128, 256>}, {pipeline_mode = #tpu.pipeline_mode<synchronous>, transform_indices = @transform_4, window_bounds = array<i64: 128, 256>}, {pipeline_mode = #tpu.pipeline_mode<synchronous>, transform_indices = @transform_5, window_bounds = array<i64: 128, 256>}, {pipeline_mode = #tpu.pipeline_mode<synchronous>, transform_indices = @transform_6, window_bounds = array<i64: 1, 256>}, {pipeline_mode = #tpu.pipeline_mode<synchronous>, transform_indices = @transform_7, window_bounds = array<i64: 256, 256>}, {pipeline_mode = #tpu.pipeline_mode<synchronous>, transform_indices = @transform_8, window_bounds = array<i64: 1, 256>}, {pipeline_mode = #tpu.pipeline_mode<synchronous>, transform_indices = @transform_9, window_bounds = array<i64: 256, 128>}, {pipeline_mode = #tpu.pipeline_mode<synchronous>, transform_indices = @transform_10, window_bounds = array<i64: 1, 128>}, {transform_indices = @transform_11, window_bounds = array<i64: 400, 128>}]} {
    %get3A = arith.constant 0 : index
    %get3A_0 = arith.constant 0 : index
    %get3A_1 = vector.load %arg1[%get3A, %get3A_0] : memref<400x128xf32, #tpu.memory_space<vmem>>, vector<400x128xf32>
    %get3A_2 = arith.constant 0 : index
    %get3A_3 = arith.constant 0 : index
    %get3A_4 = vector.load %arg4[%get3A_2, %get3A_3] : memref<128x256xf32, #tpu.memory_space<vmem>>, vector<128x256xf32>
    %dot_general3A = arith.constant dense<0.000000e+00> : vector<400x256xf32>
    %dot_general3A_5 = tpu.matmul %get3A_1, %get3A_4, %dot_general3A {dimension_numbers = #tpu.dot_dimension_numbers<[1], [0], [0], [1], [0, 0, 1, 1], [], []>, transpose_lhs_hint = false} : vector<400x128xf32>, vector<128x256xf32>, vector<400x256xf32> -> vector<400x256xf32>
    %get3A_6 = arith.constant 0 : index
    %get3A_7 = arith.constant 0 : index
    %get3A_8 = vector.load %arg2[%get3A_6, %get3A_7] : memref<400x128xf32, #tpu.memory_space<vmem>>, vector<400x128xf32>
    %get3A_9 = arith.constant 0 : index
    %get3A_10 = arith.constant 0 : index
    %get3A_11 = vector.load %arg5[%get3A_9, %get3A_10] : memref<128x256xf32, #tpu.memory_space<vmem>>, vector<128x256xf32>
    %dot_general3A_12 = arith.constant dense<0.000000e+00> : vector<400x256xf32>
    %dot_general3A_13 = tpu.matmul %get3A_8, %get3A_11, %dot_general3A_12 {dimension_numbers = #tpu.dot_dimension_numbers<[1], [0], [0], [1], [0, 0, 1, 1], [], []>, transpose_lhs_hint = false} : vector<400x128xf32>, vector<128x256xf32>, vector<400x256xf32> -> vector<400x256xf32>
    %add3A = arith.addf %dot_general3A_5, %dot_general3A_13 : vector<400x256xf32>
    %get3A_14 = arith.constant 0 : index
    %get3A_15 = arith.constant 0 : index
    %get3A_16 = vector.load %arg3[%get3A_14, %get3A_15] : memref<400x128xf32, #tpu.memory_space<vmem>>, vector<400x128xf32>
    %get3A_17 = arith.constant 0 : index
    %get3A_18 = arith.constant 0 : index
    %get3A_19 = vector.load %arg6[%get3A_17, %get3A_18] : memref<128x256xf32, #tpu.memory_space<vmem>>, vector<128x256xf32>
    %dot_general3A_20 = arith.constant dense<0.000000e+00> : vector<400x256xf32>
    %dot_general3A_21 = tpu.matmul %get3A_16, %get3A_19, %dot_general3A_20 {dimension_numbers = #tpu.dot_dimension_numbers<[1], [0], [0], [1], [0, 0, 1, 1], [], []>, transpose_lhs_hint = false} : vector<400x128xf32>, vector<128x256xf32>, vector<400x256xf32> -> vector<400x256xf32>
    %add3A_22 = arith.addf %add3A, %dot_general3A_21 : vector<400x256xf32>
    %get3A_23 = arith.constant 0 : index
    %get3A_24 = arith.constant 0 : index
    %get3A_25 = vector.load %arg7[%get3A_23, %get3A_24] : memref<1x256xf32, #tpu.memory_space<vmem>>, vector<1x256xf32>
    %add3A_26 = vector.broadcast %get3A_25 : vector<1x256xf32> to vector<400x256xf32>
    %add3A_27 = arith.addf %add3A_22, %add3A_26 : vector<400x256xf32>
    %max3A = arith.constant 0.000000e+00 : f32
    %max3A_28 = vector.broadcast %max3A : f32 to vector<400x256xf32>
    %max3A_29 = arith.maximumf %add3A_27, %max3A_28 : vector<400x256xf32>
    %get3A_30 = arith.constant 0 : index
    %get3A_31 = arith.constant 0 : index
    %get3A_32 = vector.load %arg8[%get3A_30, %get3A_31] : memref<256x256xf32, #tpu.memory_space<vmem>>, vector<256x256xf32>
    %dot_general3A_33 = arith.constant dense<0.000000e+00> : vector<400x256xf32>
    %dot_general3A_34 = tpu.matmul %max3A_29, %get3A_32, %dot_general3A_33 {dimension_numbers = #tpu.dot_dimension_numbers<[1], [0], [0], [1], [0, 0, 1, 1], [], []>, transpose_lhs_hint = false} : vector<400x256xf32>, vector<256x256xf32>, vector<400x256xf32> -> vector<400x256xf32>
    %get3A_35 = arith.constant 0 : index
    %get3A_36 = arith.constant 0 : index
    %get3A_37 = vector.load %arg9[%get3A_35, %get3A_36] : memref<1x256xf32, #tpu.memory_space<vmem>>, vector<1x256xf32>
    %add3A_38 = vector.broadcast %get3A_37 : vector<1x256xf32> to vector<400x256xf32>
    %add3A_39 = arith.addf %dot_general3A_34, %add3A_38 : vector<400x256xf32>
    %max3A_40 = arith.constant 0.000000e+00 : f32
    %max3A_41 = vector.broadcast %max3A_40 : f32 to vector<400x256xf32>
    %max3A_42 = arith.maximumf %add3A_39, %max3A_41 : vector<400x256xf32>
    %get3A_43 = arith.constant 0 : index
    %get3A_44 = arith.constant 0 : index
    %get3A_45 = vector.load %arg10[%get3A_43, %get3A_44] : memref<256x128xf32, #tpu.memory_space<vmem>>, vector<256x128xf32>
    %dot_general3A_46 = arith.constant dense<0.000000e+00> : vector<400x128xf32>
    %dot_general3A_47 = tpu.matmul %max3A_42, %get3A_45, %dot_general3A_46 {dimension_numbers = #tpu.dot_dimension_numbers<[1], [0], [0], [1], [0, 0, 1, 1], [], []>, transpose_lhs_hint = false} : vector<400x256xf32>, vector<256x128xf32>, vector<400x128xf32> -> vector<400x128xf32>
    %get3A_48 = arith.constant 0 : index
    %get3A_49 = arith.constant 0 : index
    %get3A_50 = vector.load %arg11[%get3A_48, %get3A_49] : memref<1x128xf32, #tpu.memory_space<vmem>>, vector<1x128xf32>
    %add3A_51 = vector.broadcast %get3A_50 : vector<1x128xf32> to vector<400x128xf32>
    %add3A_52 = arith.addf %dot_general3A_47, %add3A_51 : vector<400x128xf32>
    %swap3A = arith.constant 0 : index
    %swap3A_53 = arith.constant 0 : index
    %swap3A_54 = vector.load %arg12[%swap3A, %swap3A_53] : memref<400x128xf32, #tpu.memory_space<vmem>>, vector<400x128xf32>
    tpu.vector_store %arg12[%swap3A, %swap3A_53], %add3A_52 {strides = array<i32>} : memref<400x128xf32, #tpu.memory_space<vmem>>, vector<400x128xf32>,
    return
  }
  func.func @transform_0(%arg0: i32) -> (i32, i32) {
    %c0_i32 = arith.constant 0 : i32
    %c0_i32_0 = arith.constant 0 : i32
    return %arg0, %c0_i32 : i32, i32
  }
  func.func @transform_1(%arg0: i32) -> (i32, i32) {
    %c0_i32 = arith.constant 0 : i32
    %c0_i32_0 = arith.constant 0 : i32
    return %arg0, %c0_i32 : i32, i32
  }
  func.func @transform_2(%arg0: i32) -> (i32, i32) {
    %c0_i32 = arith.constant 0 : i32
    %c0_i32_0 = arith.constant 0 : i32
    return %arg0, %c0_i32 : i32, i32
  }
  func.func @transform_3(%arg0: i32) -> (i32, i32) {
    %c0_i32 = arith.constant 0 : i32
    %c0_i32_0 = arith.constant 0 : i32
    %c0_i32_1 = arith.constant 0 : i32
    return %c0_i32, %c0_i32_0 : i32, i32
  }
  func.func @transform_4(%arg0: i32) -> (i32, i32) {
    %c0_i32 = arith.constant 0 : i32
    %c0_i32_0 = arith.constant 0 : i32
    %c0_i32_1 = arith.constant 0 : i32
    return %c0_i32, %c0_i32_0 : i32, i32
  }
  func.func @transform_5(%arg0: i32) -> (i32, i32) {
    %c0_i32 = arith.constant 0 : i32
    %c0_i32_0 = arith.constant 0 : i32
    %c0_i32_1 = arith.constant 0 : i32
    return %c0_i32, %c0_i32_0 : i32, i32
  }
  func.func @transform_6(%arg0: i32) -> (i32, i32) {
    %c0_i32 = arith.constant 0 : i32
    %c0_i32_0 = arith.constant 0 : i32
    %c0_i32_1 = arith.constant 0 : i32
    return %c0_i32, %c0_i32_0 : i32, i32
  }
  func.func @transform_7(%arg0: i32) -> (i32, i32) {
    %c0_i32 = arith.constant 0 : i32
    %c0_i32_0 = arith.constant 0 : i32
    %c0_i32_1 = arith.constant 0 : i32
    return %c0_i32, %c0_i32_0 : i32, i32
  }
  func.func @transform_8(%arg0: i32) -> (i32, i32) {
    %c0_i32 = arith.constant 0 : i32
    %c0_i32_0 = arith.constant 0 : i32
    %c0_i32_1 = arith.constant 0 : i32
    return %c0_i32, %c0_i32_0 : i32, i32
  }
  func.func @transform_9(%arg0: i32) -> (i32, i32) {
    %c0_i32 = arith.constant 0 : i32
    %c0_i32_0 = arith.constant 0 : i32
    %c0_i32_1 = arith.constant 0 : i32
    return %c0_i32, %c0_i32_0 : i32, i32
  }
  func.func @transform_10(%arg0: i32) -> (i32, i32) {
    %c0_i32 = arith.constant 0 : i32
    %c0_i32_0 = arith.constant 0 : i32
    %c0_i32_1 = arith.constant 0 : i32
    return %c0_i32, %c0_i32_0 : i32, i32
  }
  func.func @transform_11(%arg0: i32) -> (i32, i32) {
    %c0_i32 = arith.constant 0 : i32
    %c0_i32_0 = arith.constant 0 : i32
    return %arg0, %c0_i32 : i32, i32
  }
}

</mosaic_0001>

<sc_bundles>
// kernel: kernel.5.cloned.1.call-start
scs
__scs_entry_jumppad:
0x0: {  	(pc) =	sbr.rel $0x88, $3  }
0x1: {  	(tag) =	ssettag $0x0;
	lr =	simm.s32 $0x1  }
0x2: {  	[smem:$0x3F98] =	sst lr;
	_ =	strace $0xD0000000  }
0x3: {  	_ = 	snop  }
0x4: {  	_ = 	snop  }
0x5: {  	_ = 	snop  }
0x6: {  	_ = 	snop  }
0x7: {  	_ = 	snop  }
__scs_overlays_trampoline_lowered:
0x8: {  	[smem:$0x3FA7] =	sst s0  }
0x9: {  	[smem:$0x3FA8] =	sst s1  }
0xa: {  	[smem:$0x3FA9] =	sst s2  }
0xb: {  	[smem:$0x3FAA] =	sst s3  }
0xc: {  	[smem:$0x3FAB] =	sst s4  }
0xd: {  	[smem:$0x3FAC] =	sst s5  }
0xe: {  	[smem:$0x3FAD] =	sst s6  }
0xf: {  	[smem:$0x3FAE] =	sst s7  }
0x10: {  	[smem:$0x3FAF] =	sst s8  }
0x11: {  	[smem:$0x3FB0] =	sst s9;
	s0 =	simm.s32 @!p0 $0x0  }
0x12: {  	s1 =	sld [smem:$0x3F96];
	s0 =	simm.s32 @p0 $0x1  }
0x13: {  	[smem:$0x3FB1] =	sst s0;
	s0 =	simm.s32 @!p1 $0x0  }
0x14: {  	s2 =	sld [smem:$0x3F95];
	s0 =	simm.s32 @p1 $0x1  }
0x15: {  	[smem:$0x3FB2] =	sst s0;
	s0 =	simm.s32 @!p2 $0x0  }
0x16: {  	s3 =	sld [smem:$0x3FDB];
	s0 =	simm.s32 @p2 $0x1  }
0x17: {  	s4 =	simm.s32 $0x1BF5;
	[smem:$0x3FB4] =	sst s0  }
0x18: {  	s0 =	sld [smem:$0x3F97];
	_ =	swait.ge [sflag:s4], $0x0  }
0x19: {  	s7 =	sld [smem:$0x3F98]  }
0x1a: {  	s8 =	sadd.s32 $0xFFFFE003, lr  }
0x1b: {  	s9 =	sadd.s32 $0xFFFFFEF7, lr;
	s5 =	simm.s32 $0xFFFFFFFF;
	p2 =	slt.u32 s8, $0xFFFFF086  }
0x1c: {  	p1 =	slt.u32 s9, $0xF7A;
	s5 =	simm.s32 @!p2 $0x0  }
0x1d: {  	s5 =	simm.s32 @p1 $0x1;
	p0 =	seq.s32 s7, s2  }
0x1e: {  	s7 =	smul.u32 @!p0 $0xF7A, s2;
	p2 =	seq.s32 @!p0 s5, $0x0  }
0x1f: {  	s9 =	smul.u32 $0xF7A, s1;
	s8 =	simm.s32 @!p0 $0x1BF5;
	p2 =	por !p2, p0  }
0x20: {  	[sflag:s8] =	ssyncset.s32 @!p0 $0xFFFFF086;
	s6 =	sadd.s32 @!p0 s3, s7;
	s7 =	simm.s32 @!p0 $0x108  }
0x21: {  	s3 =	sadd.s32 s3, s9;
	s6 =	sadd.s32 @!p0 $0x88, s6;
	s7 =	simm.s32 @p2 $0x1082  }
0x22: {  	[simem:s7], [sflag:s8] =	dma.local @!p0 [hbm:s6], $0xF7A  }
0x23: {  	s9 =	sor.u32 $0xD0000000, s2;
	s6 =	simm.s32 $0x108;
	_ =	swait.ge @!p0 [sflag:s8], $0x0  }
0x24: {  	s3 =	sadd.s32 $0x88, s3;
	s6 =	simm.s32 @!p1 $0x1082;
	[sflag:s4] =	ssyncset.s32 $0xFFFFF086  }
0x25: {  	[simem:s6], [sflag:s4] =	dma.local [hbm:s3], $0xF7A  }
0x26: {  	[smem:$0x3F98] =	sst s1;
	(tag) =	ssettag s2;
	_ =	strace s9  }
0x27: {  	s1 =	sld [smem:$0x3FA8]  }
0x28: {  	s2 =	sld [smem:$0x3FA9]  }
0x29: {  	s4 =	sld [smem:$0x3FAB]  }
0x2a: {  	p0 =	seq.s32 s5, $0x0;
	s5 =	sld [smem:$0x3FAC]  }
0x2b: {  	s6 =	sld [smem:$0x3FAD]  }
0x2c: {  	s7 =	sld [smem:$0x3FAE]  }
0x2d: {  	s3 =	simm.s32 $0x108;
	s8 =	sld [smem:$0x3FAF]  }
0x2e: {  	s3 =	simm.s32 @!p0 $0x1082;
	s9 =	sld [smem:$0x3FB0]  }
0x2f: {  	lr =	sadd.s32 s0, s3;
	s0 =	sld [smem:$0x3FA7]  }
0x30: {  	s3 =	sld [smem:$0x3FAA]  }
0x31: {  	[smem:$0x3FB3] =	sst s10  }
0x32: {  	s10 =	sld [smem:$0x3FB1];
	_ =	sdelay $0x3  }
0x33: {  	p0 =	seq.s32 s10, $0x1;
	s10 =	sld [smem:$0x3FB3];
	_ =	sdelay $0x3  }
0x34: {  	[smem:$0x3FB3] =	sst s10  }
0x35: {  	s10 =	sld [smem:$0x3FB2];
	_ =	sdelay $0x3  }
0x36: {  	p1 =	seq.s32 s10, $0x1;
	s10 =	sld [smem:$0x3FB3];
	_ =	sdelay $0x3  }
0x37: {  	[smem:$0x3FB3] =	sst s10  }
0x38: {  	s10 =	sld [smem:$0x3FB4]  }
0x39: {  	_ = 	snop;
	(pc) =	sbr.ind lr, $3  }
0x3a: {  	_ = 	snop  }
0x3b: {  	_ = 	snop  }
0x3c: {  	p2 =	seq.s32 s10, $0x1;
	s10 =	sld [smem:$0x3FB3]  }
0x3d: {  	_ =	shalt  }
0x3e: {  	_ =	shalt  }
0x3f: {  	_ =	shalt  }
0x40: {  	_ =	shalt  }
0x41: {  	_ =	shalt  }
0x42: {  	_ =	shalt  }
0x43: {  	_ =	shalt  }
0x44: {  	_ =	shalt  }
0x45: {  	_ =	shalt  }
0x46: {  	_ =	shalt  }
0x47: {  	_ =	shalt  }
0x48: {  	_ =	shalt  }
0x49: {  	_ =	shalt  }
0x4a: {  	_ =	shalt  }
0x4b: {  	_ =	shalt  }
0x4c: {  	_ =	shalt  }
0x4d: {  	_ =	shalt  }
0x4e: {  	_ =	shalt  }
0x4f: {  	_ =	shalt  }
0x50: {  	_ =	shalt  }
0x51: {  	_ =	shalt  }
0x52: {  	_ =	shalt  }
0x53: {  	_ =	shalt  }
0x54: {  	_ =	shalt  }
0x55: {  	_ =	shalt  }
0x56: {  	_ =	shalt  }
0x57: {  	_ =	shalt  }
0x58: {  	_ =	shalt  }
0x59: {  	_ =	shalt  }
0x5a: {  	_ =	shalt  }
0x5b: {  	_ =	shalt  }
0x5c: {  	_ =	shalt  }
0x5d: {  	_ =	shalt  }
0x5e: {  	_ =	shalt  }
0x5f: {  	_ =	shalt  }
0x60: {  	_ =	shalt  }
0x61: {  	_ =	shalt  }
0x62: {  	_ =	shalt  }
0x63: {  	_ =	shalt  }
0x64: {  	_ =	shalt  }
0x65: {  	_ =	shalt  }
0x66: {  	_ =	shalt  }
0x67: {  	_ =	shalt  }
0x68: {  	_ =	shalt  }
0x69: {  	_ =	shalt  }
0x6a: {  	_ =	shalt  }
0x6b: {  	_ =	shalt  }
0x6c: {  	_ =	shalt  }
0x6d: {  	_ =	shalt  }
0x6e: {  	_ =	shalt  }
0x6f: {  	_ =	shalt  }
0x70: {  	_ =	shalt  }
0x71: {  	_ =	shalt  }
0x72: {  	_ =	shalt  }
0x73: {  	_ =	shalt  }
0x74: {  	_ =	shalt  }
0x75: {  	_ =	shalt  }
0x76: {  	_ =	shalt  }
0x77: {  	_ =	shalt  }
0x78: {  	_ =	shalt  }
0x79: {  	_ =	shalt  }
0x7a: {  	_ =	shalt  }
0x7b: {  	_ =	shalt  }
0x7c: {  	_ =	shalt  }
0x7d: {  	_ =	shalt  }
0x7e: {  	_ =	shalt  }
0x7f: {  	_ =	shalt  }
0x80: {  	_ =	shalt  }
0x81: {  	_ =	shalt  }
0x82: {  	_ =	shalt  }
0x83: {  	_ =	shalt  }
0x84: {  	_ =	shalt  }
0x85: {  	_ =	shalt  }
0x86: {  	_ =	shalt  }
0x87: {  	_ =	shalt  }
.Lfunc_end0:
.L_simem_size_0:
called_computation_lowered:
.L_overlay_start_0:
0x88: {  	s2 =	sld [smem:$0x3FD9]  }
0x89: {  	s3 =	sld [smem:$0x3FFE];
	_ =	sdelay $0x1  }
0x8a: {  	s1 =	srdreg.scid  }
0x8b: {  	s0 =	sand.u32 $0x1, s1  }
0x8c: {  	s18 =	sshll.u32 s0, $0xA;
	s2 =	sadd.s32 s3, s2  }
0x8d: {  	s2 =	sadd.s32 s2, s18  }
0x8e: {  	[smem:$0x3FBF] =	sst s2  }
0x8f: {  	_ = 	snop  }
0x90: {  	s2 =	sld [smem:$0x3FC9]  }
0x91: {  	s19 =	sld [smem:$0x3FD0];
	(tm) =	ssettm $0x1  }
0x92: {  	s4 =	sld [smem:$0x3FFB];
	_ =	sdelay $0x3  }
0x93: {  	_ =	strace s4  }
0x94: {  	s4 =	sld [smem:$0x3FFC];
	_ =	sdelay $0x3  }
0x95: {  	_ =	strace s4  }
0x96: {  	s4 =	sld [smem:$0x3FFD];
	_ =	sdelay $0x3  }
0x97: {  	_ =	strace s4  }
0x98: {  	_ =	strace $0x8FFFFFFF  }
0x99: {  	s20 =	sld [smem:$0x3FDB];
	_ =	sdelay $0x1  }
0x9a: {  	s5 =	simm.s32 $_scs_section_size  }
0x9b: {  	s6 =	simm.s32 $_size__tile_overlayer_lowered;
	s7 =	simm.s32 $_tile_overlayer_lowered  }
0x9c: {  	s23 =	simm.s32 $0x1BFF;
	s22 =	sshll.u32 s7, $0x1;
	s4 =	sadd.s32 s5, s20  }
0x9d: {  	s8 =	simm.s32 $0x0;
	s21 =	sshll.u32 s6, $0x1;
	s6 =	sadd.s32 s22, s4  }
0x9e: {  	[timem:s8], [sflag:s23] =	dma.local [hbm:s6], s21  }
0x9f: {  	_ =	swait.ge [sflag:s23], s21  }
0xa0: {  	s5 =	ssub.s32 $0x0, s21;
	[sflag:s23] =	ssyncset.done $0x0  }
0xa1: {  	[sflag:s23] =	ssyncadd.s32 s5;
	_ =	sdelay $0x1  }
0xa2: {  	s24 =	simm.s32 $0x1B8B  }
0xa3: {  	_ =	swait.ge [sflag:s24], $0x1  }
0xa4: {  	[sflag:s24] =	ssyncset.done $0x0  }
0xa5: {  	s25 =	simm.s32 $0x1B8E;
	[sflag:s24] =	ssyncadd.s32 $0xFFFFFFFF  }
0xa6: {  	s26 =	simm.s32 $execute0_lowered;
	[smem:$0x3FD2] =	sst s25  }
0xa7: {  	s5 =	sshll.u32 s26, $0x1;
	_ =	strace $0x80000046;
	[dreg:$0x1] =	wrdreg $0xFFFFFFFF  }
0xa8: {  	s28 =	simm.s32 $_size_execute0_lowered;
	s4 =	sadd.s32 s4, s5;
	[dreg:$0x0] =	wrdreg $0x0  }
0xa9: {  	s5 =	sshll.u32 s28, $0x1;
	[dreg:$0x2] =	wrdreg s4  }
0xaa: {  	[dreg:$0x3] =	wrdreg s5  }
0xab: {  	[dreg:$0x4] =	wrdreg $0xC0  }
0xac: {  	_ =	task [dreg:s8], $0x5FFFF  }
0xad: {  	[dreg:$0x1] =	wrdreg $0xFFFFFFFF  }
0xae: {  	[dreg:$0x0] =	wrdreg $0x60  }
0xaf: {  	[dreg:$0x2] =	wrdreg s2  }
0xb0: {  	[dreg:$0x3] =	wrdreg s19  }
0xb1: {  	[dreg:$0x4] =	wrdreg $0x9  }
0xb2: {  	_ =	task.clear_ibuf [dreg:s8], $0x5FFFF;
	_ =	strace $0x90000046  }
0xb3: {  	s29 =	simm.s32 $0x9;
	_ =	strace $0x8000004F  }
0xb4: {  	_ =	swait.ge [sflag:s29], $0x1  }
0xb5: {  	[sflag:s29] =	ssyncadd.s32 $0xFFFFFFFF  }
0xb6: {  	_ =	strace $0x9000004F  }
0xb7: {  	_ =	sfence  }
0xb8: {  	s30 =	sld [smem:$0x0];
	_ =	sdelay $0x2  }
0xb9: {  	s31 =	sshll.u32 s1, $0xD;
	s1 =	sshrl.u32 s1, $0x2  }
0xba: {  	s3 =	sand.u32 $0x4000, s31;
	s1 =	sadd.s32 s1, s30  }
0xbb: {  	s0 =	sor.u32 s3, s0;
	s1 =	sshll.u32 s1, $0x11  }
0xbc: {  	s0 =	sor.u32 s1, s0  }
0xbd: {  	s0 =	sadd.s32 $0x8F2B, s0  }
0xbe: {  	[sflag:s0] =	ssyncadd.remote.s32 $0x1  }
0xbf: {  	_ =	sfence.sel $0xFFFF  }
0xc0: {  	[dreg:$0x0] =	wrdreg $0xFFFFFFFF;
	(pc) =	sbr.abs _section_cstart, $3  }
0xc1: {  	[dreg:$0x1] =	wrdreg $0xFFFFFFFF  }
0xc2: {  	_ =	task.clear_ibuf [dreg:s8], $0x2FFFF;
	_ =	strace $0x9FFFFFFF  }
0xc3: {  	(tm) =	ssettm $0x7FFFFFFF  }
tec
execute0_lowered:
.L_overlay_start_1:
0x0: {  	(tag) =	ssettag $0x1  }
0x1: {  	s0 =	srdreg.scid  }
0x2: {  	s6 =	sand.u32 $0x1, s0  }
0x3: {  	s0 =	stileid.u32;
	s1 =	sshll.u32 s6, $0x4  }
0x4: {  	s2 =	rddreg [dreg:$0x0];
	s5 =	sor.u32 s0, s1  }
0x5: {  	s3 =	rddreg [dreg:$0x1];
	s4 =	simm.s32 $0x0;
	s7 =	smul.u32 $0x9, s5  }
0x6: {  	s10 =	simm.s32 $0x0;
	[smem:$0x7FF] =	sst s4;
	s8 =	smul.u32 $0xA, s5  }
0x7: {  	s31 =	ssub.s32 $0x2, s6;
	p0 =	slt.u32 s5, $0xC;
	s5 =	sadd.s32 $0xC, s7  }
0x8: {  	s6 =	simm.s32 $0xA;
	s1 =	rddreg [dreg:$0x2];
	s5 =	smov.u32 @p0 s8  }
0x9: {  	_ =	strace $0x80000047;
	s9 =	sshrl.u32 s31, $0x1;
	s8 =	sshll.u32 s5, $0xC  }
0xa: {  	s9 =	ssub.s32 s31, s9;
	s6 =	simm.s32 @!p0 $0x9;
	s8 =	sand.u32 $0x1FFFF000, s8  }
0xb: {  	s9 =	smax.u32 s9, $0x1;
	s7 =	sadd.s32 s2, s8;
	s8 =	sadd.s32 $0xFFFFFFFF, s6  }
.LBB2_1:
0xc: {  	_ =	strace $0x80000048;
	s12 =	simm.s32 $0x0  }
0xd: {  	s11 =	simm.s32 $0x0;
	s13 =	simm.s32 $0x0;
	s14 =	simm.s32 $0x0  }
0xe: {  	[tilespmem:s4], [sflag:$0x1] =	stream.linear.gather [hbm4b:s7+s4], $0x8000, $0x200038;
	[tilespmem:$0x10800] =	vst v63  }
0xf: {  	s15 =	simm.s32 $0x1;
	s16 =	simm.s32 $0x0;
	_ =	strace $0x90000048  }
.LBB2_2:
0x10: {  	s18 =	smov.u32 s12;
	s12 =	sadd.s32 $0x1, s12  }
0x11: {  	p0 =	seq.s32 s12, s6  }
0x12: {  	s12 =	simm.s32 @p0 $0x0  }
0x13: {  	p6 =	slt.u32 s16, s8;
	p1 =	sne.s32 s18, s12  }
0x14: {  	p0 =	por !p6, !p1  }
0x15: {  	p0 =	por !p0, !p0  }
0x16: {  	s17 =	sadd.s32 @p0 s5, s12  }
0x17: {  	s19 =	sand.u32 @p0 $0x1, s15;
	s17 =	sshll.u32 @p0 s17, $0xC  }
0x18: {  	_ =	strace @p0 $0x80000049;
	s21 =	simm.s32 @p0 $0x0;
	s17 =	sand.u32 @p0 $0x1FFFF000, s17  }
0x19: {  	s20 =	sshll.u32 @p0 s19, $0xF;
	s19 =	sadd.s32 @p0 $0x1, s19;
	s17 =	sadd.s32 @p0 s2, s17  }
0x1a: {  	[tilespmem:s20], [sflag:s19] =	stream.linear.gather @p0 [hbm4b:s17+s21], $0x8000, $0x200038;
	[tilespmem:$0x10800] =	vst v63  }
0x1b: {  	s29 =	sand.u32 $0x1, s14;
	_ =	strace @p0 $0x90000049  }
0x1c: {  	s30 =	sadd.s32 $0x1, s29;
	_ =	strace $0x8000004A  }
0x1d: {  	_ =	swait.ge [sflag:s30], $0x8000  }
0x1e: {  	s17 =	sand.u32 $0x1, s13;
	s19 =	sadd.s32 s5, s18;
	[sflag:s30] =	ssyncset.done $0x0  }
0x1f: {  	s20 =	sshll.u32 s29, $0xF;
	s31 =	sshll.u32 s17, $0xA;
	[sflag:s30] =	ssyncadd.s32 $0xFFFF8000  }
0x20: {  	s21 =	simm.s32 $0x0;
	s18 =	sor.u32 $0x10000, s31;
	_ =	strace $0x9000004A  }
0x21: {  	s20 =	sor.u32 $0x800, s20;
	s22 =	smov.u32 s18;
	_ =	strace $0x8000004B  }
.LBB2_3:
0x22: {  	v1 =	vmov s20;
	_ =	sdelay $0x3  }
0x23: {  	s23 =	simm.s32 $0x0  }
0x24: {  	v0 =	vmov s22;
	s24 =	simm.s32 $0x40;
	v2 =	vld.idx.msk [tilespmem:v1+s23+$0xFFFFF880 ss:$0x1], $0xffff  }
.LBB2_4:
0x25: {  	p2 =	sne.s32 s24, $0x1C0;
	v3 =	vld.idx.msk [tilespmem:v1+s23+$0xFFFFF800 ss:$0x1], $0xffff;
	_ =	sdelay $0x1  }
0x26: {  	v4 =	vld.idx.msk [tilespmem:v1+s23+$0xFFFFF900 ss:$0x1], $0xffff;
	_ =	sdelay $0x1  }
0x27: {  	v5 =	vld.idx.msk [tilespmem:v1+s23+$0xFFFFF980 ss:$0x1], $0xffff;
	_ =	sdelay $0x1  }
0x28: {  	v2 =	vadd.f32 v2, v3;
	v3 =	vld.idx.msk [tilespmem:v1+s23+$0xFFFFFA00 ss:$0x1], $0xffff;
	_ =	sdelay $0x1  }
0x29: {  	v2 =	vadd.f32 v4, v2;
	v4 =	vld.idx.msk [tilespmem:v1+s23+$0xFFFFFA80 ss:$0x1], $0xffff;
	_ =	sdelay $0x1  }
0x2a: {  	v2 =	vadd.f32 v5, v2;
	v5 =	vld.idx.msk [tilespmem:v1+s23+$0xFFFFFB00 ss:$0x1], $0xffff;
	_ =	sdelay $0x1  }
0x2b: {  	v2 =	vadd.f32 v3, v2;
	v3 =	vld.idx.msk [tilespmem:v1+s23+$0xFFFFFB80 ss:$0x1], $0xffff;
	_ =	sdelay $0x1  }
0x2c: {  	v2 =	vadd.f32 v4, v2;
	v4 =	vld.idx.msk [tilespmem:v1+s23+$0xFFFFFC00 ss:$0x1], $0xffff;
	_ =	sdelay $0x1  }
0x2d: {  	v2 =	vadd.f32 v5, v2;
	v5 =	vld.idx.msk [tilespmem:v1+s23+$0xFFFFFC80 ss:$0x1], $0xffff;
	_ =	sdelay $0x1  }
0x2e: {  	v2 =	vadd.f32 v3, v2;
	v3 =	vld.idx.msk [tilespmem:v1+s23+$0xFFFFFD00 ss:$0x1], $0xffff;
	_ =	sdelay $0x1  }
0x2f: {  	v2 =	vadd.f32 v4, v2;
	v4 =	vld.idx.msk [tilespmem:v1+s23+$0xFFFFFD80 ss:$0x1], $0xffff;
	_ =	sdelay $0x1  }
0x30: {  	v2 =	vadd.f32 v5, v2;
	v5 =	vld.idx.msk [tilespmem:v1+s23+$0xFFFFFE00 ss:$0x1], $0xffff;
	_ =	sdelay $0x1  }
0x31: {  	v2 =	vadd.f32 v3, v2;
	v3 =	vld.idx.msk [tilespmem:v1+s23+$0xFFFFFE80 ss:$0x1], $0xffff;
	_ =	sdelay $0x1  }
0x32: {  	v2 =	vadd.f32 v4, v2;
	v4 =	vld.idx.msk [tilespmem:v1+s23+$0xFFFFFF00 ss:$0x1], $0xffff;
	_ =	sdelay $0x1  }
0x33: {  	v2 =	vadd.f32 v5, v2;
	v5 =	vld.idx.msk [tilespmem:v1+s23+$0xFFFFFF80 ss:$0x1], $0xffff;
	_ =	sdelay $0x1  }
0x34: {  	v2 =	vadd.f32 v3, v2;
	v3 =	vld.idx.msk [tilespmem:v1+s23+$0x0 ss:$0x1], $0xffff;
	_ =	sdelay $0x1  }
0x35: {  	v2 =	vadd.f32 v4, v2;
	v4 =	vld.idx.msk [tilespmem:v1+s23+$0x80 ss:$0x1], $0xffff;
	_ =	sdelay $0x1  }
0x36: {  	v2 =	vadd.f32 v5, v2;
	v5 =	vld.idx.msk [tilespmem:v1+s23+$0x100 ss:$0x1], $0xffff;
	_ =	sdelay $0x1  }
0x37: {  	v2 =	vadd.f32 v3, v2;
	v3 =	vld.idx.msk [tilespmem:v1+s23+$0x180 ss:$0x1], $0xffff;
	_ =	sdelay $0x1  }
0x38: {  	v2 =	vadd.f32 v4, v2;
	v4 =	vld.idx.msk [tilespmem:v1+s23+$0x200 ss:$0x1], $0xffff;
	_ =	sdelay $0x1  }
0x39: {  	v2 =	vadd.f32 v5, v2;
	v5 =	vld.idx.msk [tilespmem:v1+s23+$0x280 ss:$0x1], $0xffff;
	_ =	sdelay $0x1  }
0x3a: {  	v2 =	vadd.f32 v3, v2;
	v3 =	vld.idx.msk [tilespmem:v1+s23+$0x300 ss:$0x1], $0xffff;
	_ =	sdelay $0x1  }
0x3b: {  	v2 =	vadd.f32 v4, v2;
	v4 =	vld.idx.msk [tilespmem:v1+s23+$0x380 ss:$0x1], $0xffff;
	_ =	sdelay $0x1  }
0x3c: {  	v2 =	vadd.f32 v5, v2;
	v5 =	vld.idx.msk [tilespmem:v1+s23+$0x400 ss:$0x1], $0xffff;
	_ =	sdelay $0x1  }
0x3d: {  	v2 =	vadd.f32 v3, v2;
	v3 =	vld.idx.msk [tilespmem:v1+s23+$0x480 ss:$0x1], $0xffff;
	_ =	sdelay $0x1  }
0x3e: {  	v2 =	vadd.f32 v4, v2;
	v4 =	vld.idx.msk [tilespmem:v1+s23+$0x500 ss:$0x1], $0xffff;
	_ =	sdelay $0x1  }
0x3f: {  	v2 =	vadd.f32 v5, v2;
	v5 =	vld.idx.msk [tilespmem:v1+s23+$0x580 ss:$0x1], $0xffff;
	_ =	sdelay $0x1  }
0x40: {  	v2 =	vadd.f32 v3, v2;
	v3 =	vld.idx.msk [tilespmem:v1+s23+$0x600 ss:$0x1], $0xffff;
	_ =	sdelay $0x1  }
0x41: {  	v2 =	vadd.f32 v4, v2;
	v4 =	vld.idx.msk [tilespmem:v1+s23+$0x680 ss:$0x1], $0xffff;
	_ =	sdelay $0x1  }
0x42: {  	v2 =	vadd.f32 v5, v2;
	v5 =	vld.idx.msk [tilespmem:v1+s23+$0x700 ss:$0x1], $0xffff;
	_ =	sdelay $0x1  }
0x43: {  	v2 =	vadd.f32 v3, v2;
	v3 =	vld.idx.msk [tilespmem:v1+s23+$0x780 ss:$0x1], $0xffff;
	_ =	sdelay $0x1  }
0x44: {  	v2 =	vadd.f32 v4, v2;
	_ =	sdelay $0x1  }
0x45: {  	v2 =	vadd.f32 v5, v2  }
.Ltmp0:
0x46: {  	(pc) =	sbr.rel @p2 .LBB2_4-.Ltmp0, $3  }
0x47: {  	v2 =	vadd.f32 v3, v2;
	_ =	sdelay $0x1  }
0x48: {  	[tilespmem:v0+s23+$0x0 ss:$0x1] =	vst.idx.msk $0xffff, v2;
	s23 =	sshra.s32 s24, $0x2  }
0x49: {  	s24 =	sadd.s32 $0x40, s24;
	v2 =	vld.idx.msk [tilespmem:v1+s23+$0xFFFFF880 ss:$0x1], $0xffff  }
0x4a: {  	_ =	sdelay $0x3  }
0x4b: {  	v3 =	vld.idx.msk [tilespmem:v1+s23+$0xFFFFF800 ss:$0x1], $0xffff;
	_ =	sdelay $0x1  }
0x4c: {  	v4 =	vld.idx.msk [tilespmem:v1+s23+$0xFFFFF900 ss:$0x1], $0xffff;
	_ =	sdelay $0x1  }
0x4d: {  	v5 =	vld.idx.msk [tilespmem:v1+s23+$0xFFFFF980 ss:$0x1], $0xffff  }
0x4e: {  	v2 =	vadd.f32 v2, v3  }
0x4f: {  	v36 =	vld.idx.msk [tilespmem:v1+s23+$0xFFFFFA00 ss:$0x1], $0xffff  }
0x50: {  	v2 =	vadd.f32 v4, v2  }
0x51: {  	v37 =	vld.idx.msk [tilespmem:v1+s23+$0xFFFFFA80 ss:$0x1], $0xffff  }
0x52: {  	v2 =	vadd.f32 v5, v2  }
0x53: {  	v38 =	vld.idx.msk [tilespmem:v1+s23+$0xFFFFFB00 ss:$0x1], $0xffff  }
0x54: {  	v2 =	vadd.f32 v36, v2  }
0x55: {  	v39 =	vld.idx.msk [tilespmem:v1+s23+$0xFFFFFB80 ss:$0x1], $0xffff  }
0x56: {  	v2 =	vadd.f32 v37, v2  }
0x57: {  	v40 =	vld.idx.msk [tilespmem:v1+s23+$0xFFFFFC00 ss:$0x1], $0xffff  }
0x58: {  	v2 =	vadd.f32 v38, v2  }
0x59: {  	v41 =	vld.idx.msk [tilespmem:v1+s23+$0xFFFFFC80 ss:$0x1], $0xffff  }
0x5a: {  	v2 =	vadd.f32 v39, v2  }
0x5b: {  	v42 =	vld.idx.msk [tilespmem:v1+s23+$0xFFFFFD00 ss:$0x1], $0xffff  }
0x5c: {  	v2 =	vadd.f32 v40, v2  }
0x5d: {  	v43 =	vld.idx.msk [tilespmem:v1+s23+$0xFFFFFD80 ss:$0x1], $0xffff  }
0x5e: {  	v2 =	vadd.f32 v41, v2  }
0x5f: {  	v44 =	vld.idx.msk [tilespmem:v1+s23+$0xFFFFFE00 ss:$0x1], $0xffff  }
0x60: {  	v2 =	vadd.f32 v42, v2  }
0x61: {  	v45 =	vld.idx.msk [tilespmem:v1+s23+$0xFFFFFE80 ss:$0x1], $0xffff  }
0x62: {  	v2 =	vadd.f32 v43, v2  }
0x63: {  	v46 =	vld.idx.msk [tilespmem:v1+s23+$0xFFFFFF00 ss:$0x1], $0xffff  }
0x64: {  	v2 =	vadd.f32 v44, v2  }
0x65: {  	v47 =	vld.idx.msk [tilespmem:v1+s23+$0xFFFFFF80 ss:$0x1], $0xffff  }
0x66: {  	v2 =	vadd.f32 v45, v2  }
0x67: {  	v48 =	vld.idx.msk [tilespmem:v1+s23+$0x0 ss:$0x1], $0xffff  }
0x68: {  	v2 =	vadd.f32 v46, v2  }
0x69: {  	v49 =	vld.idx.msk [tilespmem:v1+s23+$0x80 ss:$0x1], $0xffff  }
0x6a: {  	v2 =	vadd.f32 v47, v2  }
0x6b: {  	v50 =	vld.idx.msk [tilespmem:v1+s23+$0x100 ss:$0x1], $0xffff  }
0x6c: {  	v2 =	vadd.f32 v48, v2  }
0x6d: {  	v51 =	vld.idx.msk [tilespmem:v1+s23+$0x180 ss:$0x1], $0xffff  }
0x6e: {  	v2 =	vadd.f32 v49, v2  }
0x6f: {  	v52 =	vld.idx.msk [tilespmem:v1+s23+$0x200 ss:$0x1], $0xffff  }
0x70: {  	v2 =	vadd.f32 v50, v2  }
0x71: {  	v53 =	vld.idx.msk [tilespmem:v1+s23+$0x280 ss:$0x1], $0xffff  }
0x72: {  	v2 =	vadd.f32 v51, v2  }
0x73: {  	v54 =	vld.idx.msk [tilespmem:v1+s23+$0x300 ss:$0x1], $0xffff  }
0x74: {  	v2 =	vadd.f32 v52, v2  }
0x75: {  	v55 =	vld.idx.msk [tilespmem:v1+s23+$0x380 ss:$0x1], $0xffff  }
0x76: {  	v2 =	vadd.f32 v53, v2  }
0x77: {  	v56 =	vld.idx.msk [tilespmem:v1+s23+$0x400 ss:$0x1], $0xffff  }
0x78: {  	v2 =	vadd.f32 v54, v2  }
0x79: {  	v57 =	vld.idx.msk [tilespmem:v1+s23+$0x480 ss:$0x1], $0xffff  }
0x7a: {  	v2 =	vadd.f32 v55, v2  }
0x7b: {  	v58 =	vld.idx.msk [tilespmem:v1+s23+$0x500 ss:$0x1], $0xffff  }
0x7c: {  	v2 =	vadd.f32 v56, v2  }
0x7d: {  	v59 =	vld.idx.msk [tilespmem:v1+s23+$0x580 ss:$0x1], $0xffff  }
0x7e: {  	v2 =	vadd.f32 v57, v2  }
0x7f: {  	v60 =	vld.idx.msk [tilespmem:v1+s23+$0x600 ss:$0x1], $0xffff  }
0x80: {  	v2 =	vadd.f32 v58, v2  }
0x81: {  	v61 =	vld.idx.msk [tilespmem:v1+s23+$0x680 ss:$0x1], $0xffff  }
0x82: {  	v2 =	vadd.f32 v59, v2  }
0x83: {  	v62 =	vld.idx.msk [tilespmem:v1+s23+$0x700 ss:$0x1], $0xffff  }
0x84: {  	v2 =	vadd.f32 v60, v2  }
0x85: {  	v63 =	vld.idx.msk [tilespmem:v1+s23+$0x780 ss:$0x1], $0xffff  }
0x86: {  	s21 =	sadd.s32 $0x1, s21;
	v2 =	vadd.f32 v61, v2  }
0x87: {  	p2 =	sne.s32 s21, $0x8  }
.Ltmp1:
0x88: {  	v2 =	vadd.f32 v62, v2;
	(pc) =	sbr.rel @p2 .LBB2_3-.Ltmp1, $3  }
0x89: {  	_ = 	snop  }
0x8a: {  	v1 =	vadd.f32 v63, v2;
	_ =	sdelay $0x1  }
0x8b: {  	s22 =	sadd.s32 $0x80, s22;
	s20 =	sadd.s32 $0x1000, s20;
	[tilespmem:v0+s23+$0x0 ss:$0x1] =	vst.idx.msk $0xffff, v1  }
0x8c: {  	p2 =	seq.s32 s16, s8  }
0x8d: {  	p1 =	por p2, p1  }
0x8e: {  	_ =	strace $0x9000004B;
	s19 =	sshll.u32 @p1 s19, $0x7  }
0x8f: {  	_ =	strace @p1 $0x8000004C;
	s19 =	sand.u32 @p1 $0x1FFFFF80, s19  }
0x90: {  	s17 =	sadd.s32 @p1 $0x3, s17;
	s20 =	simm.s32 @p1 $0x0;
	s19 =	sadd.s32 @p1 s3, s19  }
0x91: {  	[hbm4b:s19+s20] =	stream.linear.scatter @p1 [tilespmem:s18], [sflag:s17], $0x400, $0x200038;
	[tilespmem:$0x10800] =	vst v63  }
0x92: {  	s17 =	simm.s32 $0x1  }
0x93: {  	s19 =	simm.s32 $0x1;
	s17 =	simm.s32 @!p0 $0x0;
	p0 =	seq.s32 s16, $0x0  }
0x94: {  	_ =	strace @p1 $0x9000004C;
	s15 =	sadd.s32 s17, s15;
	s17 =	simm.s32 $0x1  }
0x95: {  	s17 =	simm.s32 @!p1 $0x0;
	p1 =	sne.s32 s16, $0x0;
	s16 =	sadd.s32 $0x1, s16  }
0x96: {  	s18 =	sand.u32 @!p0 $0x1, s11;
	s19 =	simm.s32 @!p1 $0x0;
	p1 =	sne.s32 s16, s6  }
.Ltmp2:
0x97: {  	_ =	strace @!p0 $0x8000004D;
	s18 =	sadd.s32 @!p0 $0x3, s18;
	(pc) =	sbr.rel @p1 .LBB2_2-.Ltmp2, $4  }
0x98: {  	_ =	swait.ge @!p0 [sflag:s18], $0x400  }
0x99: {  	[sflag:s18] =	ssyncset.done @!p0 $0x0  }
0x9a: {  	s13 =	sadd.s32 s17, s13;
	[sflag:s18] =	ssyncadd.s32 @!p0 $0xFFFFFC00  }
0x9b: {  	s14 =	sadd.s32 s17, s14;
	s11 =	sadd.s32 s19, s11;
	_ =	strace @!p0 $0x9000004D  }
0x9c: {  	s10 =	sadd.s32 $0x1, s10  }
0x9d: {  	s11 =	sand.u32 $0x1, s11;
	p0 =	sne.s32 s10, s9  }
.Ltmp3:
0x9e: {  	_ =	strace $0x8000004E;
	s11 =	sadd.s32 $0x3, s11;
	(pc) =	sbr.rel @p0 .LBB2_1-.Ltmp3, $4  }
0x9f: {  	_ =	swait.ge [sflag:s11], $0x400  }
0xa0: {  	[sflag:s11] =	ssyncset.done $0x0  }
0xa1: {  	[sflag:s11] =	ssyncadd.s32 $0xFFFFFC00  }
0xa2: {  	_ =	strace $0x9000004E  }
0xa3: {  	_ =	sfence.sel $0x180000  }
0xa4: {  	[bflag:$0x0] =	sbarrier.arrive $0xFFFF  }
0xa5: {  	p0 =	sne.s32 s0, $0x0;
	_ =	strace $0x90000047  }
0xa6: {  	s0 =	sadd.s32 @!p0 $0x100000, s1;
	[bflag:$0x2] =	sbarrier.arrive $0xFFFF  }
0xa7: {  	[sflag:s0] =	ssyncadd.tile.s32 @!p0 $0x1;
	_ =	shalt  }
.Lfunc_end2:
_tile_overlayer_lowered:
.L_overlay_start_2:
0xa8: {  	(tag) =	ssettag $0x2  }
0xa9: {  	s0 =	rddreg [dreg:$0x0];
	s2 =	stileid.u32  }
0xaa: {  	s1 =	rddreg [dreg:$0x1];
	p0 =	sne.s32 s2, $0x0  }
0xab: {  	s3 =	rddreg [dreg:$0x2];
	[bflag:$0x3] =	sbarrier.arrive $0xFFFF;
	s2 =	simm.s32 @!p0 $0x1C01  }
0xac: {  	[timem:s3], [sflag:s2] =	dma.local @!p0 [hbm:s0], s1  }
0xad: {  	s0 =	simm.s32 @!p0 $0x1  }
0xae: {  	_ =	swait.ge @!p0 [sflag:s0], s1  }
0xaf: {  	s1 =	ssub.s32 @!p0 $0x0, s1;
	[sflag:s0] =	ssyncset.done @!p0 $0x0  }
0xb0: {  	[sflag:s0] =	ssyncadd.s32 @!p0 s1  }
0xb1: {  	[bflag:$0x3] =	sbarrier.arrive $0xFFFF  }
0xb2: {  	_ =	shalt  }

</sc_bundles>
